<compile_context>
chip_gen: v7x
topology: tpu7x:2x2x1
jax: 0.10.2.dev20260603
libtpu: 0.0.44.dev20260713+nightly
codegen_flags: <defaults>
</compile_context>

<pallas_src>
import functools

import jax
import jax.numpy as jnp
from jax import lax
from jax.experimental import pallas as pl
from jax.experimental.pallas import tpu as pltpu
from jax.experimental.pallas import tpu_sc as plsc

NN = 10000
EE = 320000
DIN = 128
F = 64
DOUT = 32
NG = 16

NC, NS = 2, 16
NW = NC * NS
ROWS_PT = 640
NPAD = NS * ROWS_PT
EPW = 10240
RPT = EPW // 128
EPAD = NW * EPW

_f32 = jnp.float32



@functools.cache
def _sc_kernels():
    mesh = plsc.VectorSubcoreMesh(
        core_axis_name="c", subcore_axis_name="s",
        num_cores=NC, num_subcores=NS,
    )

    @functools.partial(
        pl.kernel,
        out_type=jax.ShapeDtypeStruct((NC, NPAD, 16), _f32),
        mesh=mesh,
        compiler_params=pltpu.CompilerParams(use_tc_tiling_on_sc=False),
        scratch_types=[
            pltpu.VMEM((RPT, 128), jnp.int32),
            pltpu.VMEM((128, 16), _f32),
            pltpu.VMEM_SHARED((NPAD, 16), _f32),
        ],
    )
    def sc_deg(dst_hbm, zeros_hbm, ones_hbm, out_hbm, dst_v, rows_v, acc_sh):
        cid = lax.axis_index("c")
        sid = lax.axis_index("s")
        w = cid * NS + sid
        pltpu.sync_copy(dst_hbm.at[w], dst_v)
        pltpu.sync_copy(zeros_hbm, rows_v)
        for i in range(ROWS_PT // 128):
            pltpu.sync_copy(rows_v,
                            acc_sh.at[pl.ds(sid * ROWS_PT + i * 128, 128)])
        pltpu.sync_copy(ones_hbm, rows_v)
        plsc.subcore_barrier()

        @pl.loop(0, RPT)
        def _(j):
            pltpu.sync_copy(rows_v, acc_sh.at[dst_v.at[j]], add=True)

        plsc.subcore_barrier()
        pltpu.sync_copy(
            acc_sh.at[pl.ds(sid * ROWS_PT, ROWS_PT)],
            out_hbm.at[cid, pl.ds(sid * ROWS_PT, ROWS_PT)],
        )

    @functools.partial(
        pl.kernel,
        out_type=jax.ShapeDtypeStruct((NC, NPAD, F), _f32),
        mesh=mesh,
        compiler_params=pltpu.CompilerParams(use_tc_tiling_on_sc=False),
        scratch_types=[
            pltpu.VMEM((RPT, 128), jnp.int32),
            pltpu.VMEM((RPT, 128), jnp.int32),
            pltpu.VMEM((128, F), _f32),
            pltpu.VMEM_SHARED((NPAD, F), _f32),
            pltpu.SemaphoreType.DMA,
        ],
    )
    def sc_scatter(a_hbm, src_hbm, dst_hbm, zeros_hbm, out_hbm,
                   src_v, dst_v, rows_v, acc_sh, sem):
        cid = lax.axis_index("c")
        sid = lax.axis_index("s")
        w = cid * NS + sid
        pltpu.sync_copy(src_hbm.at[w], src_v)
        pltpu.sync_copy(dst_hbm.at[w], dst_v)
        pltpu.sync_copy(zeros_hbm, rows_v)
        for i in range(ROWS_PT // 128):
            pltpu.sync_copy(rows_v,
                            acc_sh.at[pl.ds(sid * ROWS_PT + i * 128, 128)])
        plsc.subcore_barrier()

        @pl.loop(0, RPT)
        def _(j):
            pltpu.async_copy(a_hbm.at[src_v.at[j]], rows_v, sem).wait()
            pltpu.sync_copy(rows_v, acc_sh.at[dst_v.at[j]], add=True)

        plsc.subcore_barrier()
        pltpu.sync_copy(
            acc_sh.at[pl.ds(sid * ROWS_PT, ROWS_PT)],
            out_hbm.at[cid, pl.ds(sid * ROWS_PT, ROWS_PT)],
        )

    return sc_deg, sc_scatter



def _prep_body(x_ref, w_ref, deg_ref, a_ref, dinv_ref):
    degs = deg_ref[...]
    deg = degs[0, :NN, 0:1] + degs[1, :NN, 0:1] + 1.0
    dinv = lax.rsqrt(deg)
    u = jnp.dot(x_ref[...], w_ref[...], preferred_element_type=_f32)
    a_ref[...] = u * dinv
    dinv_ref[...] = dinv


_tc_prep = pl.pallas_call(
    _prep_body,
    out_shape=(
        jax.ShapeDtypeStruct((NN, F), _f32),
        jax.ShapeDtypeStruct((NN, 1), _f32),
    ),
)


def _mid_body(s_ref, a_ref, dinv_ref, b_ref, w_ref, out_ref):
    s = s_ref[0, :NN, :] + s_ref[1, :NN, :]
    dinv = dinv_ref[...]
    h = jax.nn.relu(dinv * (s + a_ref[...]) + b_ref[...])
    out_ref[...] = jnp.dot(h, w_ref[...], preferred_element_type=_f32) * dinv


_tc_mid = pl.pallas_call(
    _mid_body,
    out_shape=jax.ShapeDtypeStruct((NN, F), _f32),
)


def _final_body(s_ref, a_ref, dinv_ref, b_ref, batch_ref, fc1w_ref, fc1b_ref,
                fc2w_ref, fc2b_ref, out_ref):
    s = s_ref[0, :NN, :] + s_ref[1, :NN, :]
    h = dinv_ref[...] * (s + a_ref[...]) + b_ref[...]
    gids = lax.broadcasted_iota(jnp.int32, (NN, NG), 1)
    onehot = (batch_ref[...] == gids).astype(_f32)
    g = lax.dot_general(onehot, h, (((0,), (0,)), ((), ())),
                        preferred_element_type=_f32)
    t = jax.nn.relu(jnp.dot(g, fc1w_ref[...], preferred_element_type=_f32)
                    + fc1b_ref[...])
    scores = (jnp.dot(t, fc2w_ref[...], preferred_element_type=_f32)
              + fc2b_ref[...])
    m = jnp.max(scores, axis=-1, keepdims=True)
    lse = jnp.log(jnp.sum(jnp.exp(scores - m), axis=-1, keepdims=True)) + m
    out_ref[...] = scores - lse


_tc_final = pl.pallas_call(
    _final_body,
    out_shape=jax.ShapeDtypeStruct((NG, DOUT), _f32),
)



def kernel(x, edge_index, batch, W1, b1, W2, b2, W3, b3,
           fc1_W, fc1_b, fc2_W, fc2_b):
    src = edge_index[0]
    dst = edge_index[1]
    srcp = jnp.concatenate(
        [src, jnp.zeros((EPAD - EE,), jnp.int32)]).reshape(NW, RPT, 128)
    dstp = jnp.concatenate(
        [dst, jnp.full((EPAD - EE,), NN, jnp.int32)]).reshape(NW, RPT, 128)
    zeros16 = jnp.zeros((128, 16), _f32)
    ones16 = jnp.ones((128, 16), _f32)
    zeros64 = jnp.zeros((128, F), _f32)

    sc_deg, sc_scatter = _sc_kernels()
    degs = sc_deg(dstp, zeros16, ones16)
    a1, dinv = _tc_prep(x, W1, degs)
    s1 = sc_scatter(a1, srcp, dstp, zeros64)
    a2 = _tc_mid(s1, a1, dinv, b1.reshape(1, F), W2)
    s2 = sc_scatter(a2, srcp, dstp, zeros64)
    a3 = _tc_mid(s2, a2, dinv, b2.reshape(1, F), W3)
    s3 = sc_scatter(a3, srcp, dstp, zeros64)
    out = _tc_final(s3, a3, dinv, b3.reshape(1, F), batch.reshape(NN, 1),
                    fc1_W, fc1_b.reshape(1, F), fc2_W, fc2_b.reshape(1, DOUT))
    return out

# --- scband reference (transcript-rebuilt; emitter-appended) ---
"""Pipeline reference for scband-gnnmodel-85770496901295 (READ-ONLY COPY).

The authoritative reference and input builder live on the scoring server;
editing this copy changes nothing except your own understanding.
"""

import jax, jax.numpy as jnp
import numpy as np

N = 10000
E = 320000
D_IN = 128
F1 = 64
F2 = 64
F3 = 64
D_OUT = 32
N_GRAPHS = 16


def _glorot(key, shape):
    lim = np.sqrt(6.0 / (shape[0] + shape[1]))
    return jax.random.uniform(key, shape, jnp.float32, -lim, lim)


def setup_inputs(seed: int = 0) -> dict:
    key = jax.random.key(seed)
    ks = jax.random.split(key, 14)
    x = jax.random.normal(ks[0], (N, D_IN), dtype=jnp.float32)
    edge_index = jax.random.randint(ks[1], (2, E), 0, N, dtype=jnp.int32)
    batch = jnp.sort(jax.random.randint(ks[2], (N,), 0, N_GRAPHS, dtype=jnp.int32))
    W1 = _glorot(ks[3], (D_IN, F1)); b1 = jnp.zeros((F1,), jnp.float32)
    W2 = _glorot(ks[4], (F1, F2)); b2 = jnp.zeros((F2,), jnp.float32)
    W3 = _glorot(ks[5], (F2, F3)); b3 = jnp.zeros((F3,), jnp.float32)
    fc1_W = _glorot(ks[6], (F3, F3)); fc1_b = jnp.zeros((F3,), jnp.float32)
    fc2_W = _glorot(ks[7], (F3, D_OUT)); fc2_b = jnp.zeros((D_OUT,), jnp.float32)
    return {"x": x, "edge_index": edge_index, "batch": batch,
            "W1": W1, "b1": b1, "W2": W2, "b2": b2, "W3": W3, "b3": b3,
            "fc1_W": fc1_W, "fc1_b": fc1_b, "fc2_W": fc2_W, "fc2_b": fc2_b}


def _gcn_conv(x, edge_index, W, b, num_nodes):
    # GCNConv: h = x @ W; add self-loops; symmetric deg^-1/2 normalization; scatter-add; + bias
    h = x @ W
    loop = jnp.arange(num_nodes, dtype=edge_index.dtype)
    src = jnp.concatenate([edge_index[0], loop])
    dst = jnp.concatenate([edge_index[1], loop])
    deg = jnp.zeros((num_nodes,), jnp.float32).at[dst].add(1.0)
    dinv = jnp.where(deg > 0, jax.lax.rsqrt(deg), 0.0)
    norm = dinv[src] * dinv[dst]
    msg = h[src] * norm[:, None]
    out = jnp.zeros((num_nodes, h.shape[1]), jnp.float32).at[dst].add(msg)
    return out + b


def reference(x, edge_index, batch, W1, b1, W2, b2, W3, b3, fc1_W, fc1_b, fc2_W, fc2_b):
    # eval mode: dropout is identity (p applied only in training)
    h = jax.nn.relu(_gcn_conv(x, edge_index, W1, b1, N))
    h = jax.nn.relu(_gcn_conv(h, edge_index, W2, b2, N))
    h = _gcn_conv(h, edge_index, W3, b3, N)
    g = jax.ops.segment_sum(h, batch, num_segments=N_GRAPHS)
    t = jax.nn.relu(g @ fc1_W + fc1_b)
    scores = t @ fc2_W + fc2_b
    return jax.nn.log_softmax(scores, axis=-1)

if __name__ == "__main__":
    import jax
    _d = setup_inputs()
    print(jax.jit(kernel)(*tuple(_d.values())))

</pallas_src>

<mosaic_0001>
#map = affine_map<(d0, d1) -> (0, 0, 0)>
#map1 = affine_map<(d0, d1) -> (0, 0)>
module attributes {stable_mosaic.version = 14 : i64} {
  func.func @sc_deg(%arg0: i32, %arg1: i32, %arg2: memref<32x80x128xi32, #tpu.memory_space<hbm>>, %arg3: memref<128x16xf32, #tpu.memory_space<hbm>>, %arg4: memref<128x16xf32, #tpu.memory_space<hbm>>, %arg5: memref<2x10240x16xf32, #tpu.memory_space<hbm>>, %arg6: memref<80x128xi32, #tpu.memory_space<vmem>>, %arg7: memref<128x16xf32, #tpu.memory_space<vmem>>, %arg8: memref<10240x16xf32, #tpu.memory_space<vmem_shared>>) attributes {dimension_semantics = [#tpu.dimension_semantics<core_parallel>, #tpu.dimension_semantics<subcore_parallel>], iteration_bounds = array<i64: 2, 16>, scalar_prefetch = 0 : i64, scratch_operands = 3 : i64, tpu.core_type = #tpu.core_type<sc_vector_subcore>, window_params = [{transform_indices = #map}, {transform_indices = #map1}, {transform_indices = #map1}, {transform_indices = #map}]} {
    %mul3A = arith.constant 16 : i32
    %mul3A_0 = arith.muli %arg0, %mul3A : i32
    %add3A = arith.addi %mul3A_0, %arg1 : i32
    "tpu.region"() ({
      %run_scoped3A = tpu.sem_alloc : memref<!tpu.dma_semaphore, #tpu.memory_space<semaphore_mem>>
      %dma_start3A = arith.constant 0 : i32
      %dma_start3A_30 = arith.constant 0 : i32
      %dma_start3A_31 = tpu.memref_slice %arg2[%add3A, %dma_start3A, %dma_start3A_30] : memref<32x80x128xi32, #tpu.memory_space<hbm>> -> memref<1x80x128xi32, #tpu.memory_space<hbm>>
      %dma_start3A_32 = tpu.memref_squeeze %dma_start3A_31 : memref<1x80x128xi32, #tpu.memory_space<hbm>> -> memref<80x128xi32, #tpu.memory_space<hbm>>
      %dma_start3A_33 = arith.constant 0 : i32
      %dma_start3A_34 = arith.constant 0 : i32
      %dma_start3A_35 = tpu.memref_slice %arg2[%add3A, %dma_start3A_33, %dma_start3A_34] : memref<32x80x128xi32, #tpu.memory_space<hbm>> -> memref<1x80x128xi32, #tpu.memory_space<hbm>>
      %dma_start3A_36 = tpu.memref_squeeze %dma_start3A_35 : memref<1x80x128xi32, #tpu.memory_space<hbm>> -> memref<80x128xi32, #tpu.memory_space<hbm>>
      tpu.enqueue_dma source(%dma_start3A_36 : memref<80x128xi32, #tpu.memory_space<hbm>>) target(%arg6 : memref<80x128xi32, #tpu.memory_space<vmem>>) target_semaphore(%run_scoped3A : memref<!tpu.dma_semaphore, #tpu.memory_space<semaphore_mem>>)
      %dma_wait3A = arith.constant 0 : i32
      %dma_wait3A_37 = arith.constant 0 : i32
      %dma_wait3A_38 = tpu.memref_slice %arg2[%add3A, %dma_wait3A, %dma_wait3A_37] : memref<32x80x128xi32, #tpu.memory_space<hbm>> -> memref<1x80x128xi32, #tpu.memory_space<hbm>>
      %dma_wait3A_39 = tpu.memref_squeeze %dma_wait3A_38 : memref<1x80x128xi32, #tpu.memory_space<hbm>> -> memref<80x128xi32, #tpu.memory_space<hbm>>
      %dma_wait3A_40 = arith.constant 0 : i32
      %dma_wait3A_41 = arith.constant 0 : i32
      %dma_wait3A_42 = tpu.memref_slice %arg2[%add3A, %dma_wait3A_40, %dma_wait3A_41] : memref<32x80x128xi32, #tpu.memory_space<hbm>> -> memref<1x80x128xi32, #tpu.memory_space<hbm>>
      %dma_wait3A_43 = tpu.memref_squeeze %dma_wait3A_42 : memref<1x80x128xi32, #tpu.memory_space<hbm>> -> memref<80x128xi32, #tpu.memory_space<hbm>>
      tpu.wait_dma2 semaphore(%run_scoped3A : memref<!tpu.dma_semaphore, #tpu.memory_space<semaphore_mem>>) src(%dma_wait3A_43 : memref<80x128xi32, #tpu.memory_space<hbm>>) dst(%arg6 : memref<80x128xi32, #tpu.memory_space<vmem>>)
      tpu.yield
    }) : () -> ()
    "tpu.region"() ({
      %run_scoped3A = tpu.sem_alloc : memref<!tpu.dma_semaphore, #tpu.memory_space<semaphore_mem>>
      tpu.enqueue_dma source(%arg3 : memref<128x16xf32, #tpu.memory_space<hbm>>) target(%arg7 : memref<128x16xf32, #tpu.memory_space<vmem>>) target_semaphore(%run_scoped3A : memref<!tpu.dma_semaphore, #tpu.memory_space<semaphore_mem>>)
      tpu.wait_dma2 semaphore(%run_scoped3A : memref<!tpu.dma_semaphore, #tpu.memory_space<semaphore_mem>>) src(%arg3 : memref<128x16xf32, #tpu.memory_space<hbm>>) dst(%arg7 : memref<128x16xf32, #tpu.memory_space<vmem>>)
      tpu.yield
    }) : () -> ()
    %mul3A_1 = arith.constant 640 : i32
    %mul3A_2 = arith.muli %arg1, %mul3A_1 : i32
    %add3A_3 = arith.constant 0 : i32
    %add3A_4 = arith.addi %mul3A_2, %add3A_3 : i32
    "tpu.region"() ({
      %run_scoped3A = tpu.sem_alloc : memref<!tpu.dma_semaphore, #tpu.memory_space<semaphore_mem>>
      %dma_start3A = arith.constant 0 : i32
      %dma_start3A_30 = tpu.memref_slice %arg8[%add3A_4, %dma_start3A] : memref<10240x16xf32, #tpu.memory_space<vmem_shared>> -> memref<128x16xf32, #tpu.memory_space<vmem_shared>>
      %dma_start3A_31 = arith.constant 0 : i32
      %dma_start3A_32 = tpu.memref_slice %arg8[%add3A_4, %dma_start3A_31] : memref<10240x16xf32, #tpu.memory_space<vmem_shared>> -> memref<128x16xf32, #tpu.memory_space<vmem_shared>>
      tpu.enqueue_dma source(%arg7 : memref<128x16xf32, #tpu.memory_space<vmem>>) target(%dma_start3A_32 : memref<128x16xf32, #tpu.memory_space<vmem_shared>>) target_semaphore(%run_scoped3A : memref<!tpu.dma_semaphore, #tpu.memory_space<semaphore_mem>>)
      %dma_wait3A = arith.constant 0 : i32
      %dma_wait3A_33 = tpu.memref_slice %arg8[%add3A_4, %dma_wait3A] : memref<10240x16xf32, #tpu.memory_space<vmem_shared>> -> memref<128x16xf32, #tpu.memory_space<vmem_shared>>
      %dma_wait3A_34 = arith.constant 0 : i32
      %dma_wait3A_35 = tpu.memref_slice %arg8[%add3A_4, %dma_wait3A_34] : memref<10240x16xf32, #tpu.memory_space<vmem_shared>> -> memref<128x16xf32, #tpu.memory_space<vmem_shared>>
      tpu.wait_dma2 semaphore(%run_scoped3A : memref<!tpu.dma_semaphore, #tpu.memory_space<semaphore_mem>>) src(%arg7 : memref<128x16xf32, #tpu.memory_space<vmem>>) dst(%dma_wait3A_35 : memref<128x16xf32, #tpu.memory_space<vmem_shared>>)
      tpu.yield
    }) : () -> ()
    %mul3A_5 = arith.constant 640 : i32
    %mul3A_6 = arith.muli %arg1, %mul3A_5 : i32
    %add3A_7 = arith.constant 128 : i32
    %add3A_8 = arith.addi %mul3A_6, %add3A_7 : i32
    "tpu.region"() ({
      %run_scoped3A = tpu.sem_alloc : memref<!tpu.dma_semaphore, #tpu.memory_space<semaphore_mem>>
      %dma_start3A = arith.constant 0 : i32
      %dma_start3A_30 = tpu.memref_slice %arg8[%add3A_8, %dma_start3A] : memref<10240x16xf32, #tpu.memory_space<vmem_shared>> -> memref<128x16xf32, #tpu.memory_space<vmem_shared>>
      %dma_start3A_31 = arith.constant 0 : i32
      %dma_start3A_32 = tpu.memref_slice %arg8[%add3A_8, %dma_start3A_31] : memref<10240x16xf32, #tpu.memory_space<vmem_shared>> -> memref<128x16xf32, #tpu.memory_space<vmem_shared>>
      tpu.enqueue_dma source(%arg7 : memref<128x16xf32, #tpu.memory_space<vmem>>) target(%dma_start3A_32 : memref<128x16xf32, #tpu.memory_space<vmem_shared>>) target_semaphore(%run_scoped3A : memref<!tpu.dma_semaphore, #tpu.memory_space<semaphore_mem>>)
      %dma_wait3A = arith.constant 0 : i32
      %dma_wait3A_33 = tpu.memref_slice %arg8[%add3A_8, %dma_wait3A] : memref<10240x16xf32, #tpu.memory_space<vmem_shared>> -> memref<128x16xf32, #tpu.memory_space<vmem_shared>>
      %dma_wait3A_34 = arith.constant 0 : i32
      %dma_wait3A_35 = tpu.memref_slice %arg8[%add3A_8, %dma_wait3A_34] : memref<10240x16xf32, #tpu.memory_space<vmem_shared>> -> memref<128x16xf32, #tpu.memory_space<vmem_shared>>
      tpu.wait_dma2 semaphore(%run_scoped3A : memref<!tpu.dma_semaphore, #tpu.memory_space<semaphore_mem>>) src(%arg7 : memref<128x16xf32, #tpu.memory_space<vmem>>) dst(%dma_wait3A_35 : memref<128x16xf32, #tpu.memory_space<vmem_shared>>)
      tpu.yield
    }) : () -> ()
    %mul3A_9 = arith.constant 640 : i32
    %mul3A_10 = arith.muli %arg1, %mul3A_9 : i32
    %add3A_11 = arith.constant 256 : i32
    %add3A_12 = arith.addi %mul3A_10, %add3A_11 : i32
    "tpu.region"() ({
      %run_scoped3A = tpu.sem_alloc : memref<!tpu.dma_semaphore, #tpu.memory_space<semaphore_mem>>
      %dma_start3A = arith.constant 0 : i32
      %dma_start3A_30 = tpu.memref_slice %arg8[%add3A_12, %dma_start3A] : memref<10240x16xf32, #tpu.memory_space<vmem_shared>> -> memref<128x16xf32, #tpu.memory_space<vmem_shared>>
      %dma_start3A_31 = arith.constant 0 : i32
      %dma_start3A_32 = tpu.memref_slice %arg8[%add3A_12, %dma_start3A_31] : memref<10240x16xf32, #tpu.memory_space<vmem_shared>> -> memref<128x16xf32, #tpu.memory_space<vmem_shared>>
      tpu.enqueue_dma source(%arg7 : memref<128x16xf32, #tpu.memory_space<vmem>>) target(%dma_start3A_32 : memref<128x16xf32, #tpu.memory_space<vmem_shared>>) target_semaphore(%run_scoped3A : memref<!tpu.dma_semaphore, #tpu.memory_space<semaphore_mem>>)
      %dma_wait3A = arith.constant 0 : i32
      %dma_wait3A_33 = tpu.memref_slice %arg8[%add3A_12, %dma_wait3A] : memref<10240x16xf32, #tpu.memory_space<vmem_shared>> -> memref<128x16xf32, #tpu.memory_space<vmem_shared>>
      %dma_wait3A_34 = arith.constant 0 : i32
      %dma_wait3A_35 = tpu.memref_slice %arg8[%add3A_12, %dma_wait3A_34] : memref<10240x16xf32, #tpu.memory_space<vmem_shared>> -> memref<128x16xf32, #tpu.memory_space<vmem_shared>>
      tpu.wait_dma2 semaphore(%run_scoped3A : memref<!tpu.dma_semaphore, #tpu.memory_space<semaphore_mem>>) src(%arg7 : memref<128x16xf32, #tpu.memory_space<vmem>>) dst(%dma_wait3A_35 : memref<128x16xf32, #tpu.memory_space<vmem_shared>>)
      tpu.yield
    }) : () -> ()
    %mul3A_13 = arith.constant 640 : i32
    %mul3A_14 = arith.muli %arg1, %mul3A_13 : i32
    %add3A_15 = arith.constant 384 : i32
    %add3A_16 = arith.addi %mul3A_14, %add3A_15 : i32
    "tpu.region"() ({
      %run_scoped3A = tpu.sem_alloc : memref<!tpu.dma_semaphore, #tpu.memory_space<semaphore_mem>>
      %dma_start3A = arith.constant 0 : i32
      %dma_start3A_30 = tpu.memref_slice %arg8[%add3A_16, %dma_start3A] : memref<10240x16xf32, #tpu.memory_space<vmem_shared>> -> memref<128x16xf32, #tpu.memory_space<vmem_shared>>
      %dma_start3A_31 = arith.constant 0 : i32
      %dma_start3A_32 = tpu.memref_slice %arg8[%add3A_16, %dma_start3A_31] : memref<10240x16xf32, #tpu.memory_space<vmem_shared>> -> memref<128x16xf32, #tpu.memory_space<vmem_shared>>
      tpu.enqueue_dma source(%arg7 : memref<128x16xf32, #tpu.memory_space<vmem>>) target(%dma_start3A_32 : memref<128x16xf32, #tpu.memory_space<vmem_shared>>) target_semaphore(%run_scoped3A : memref<!tpu.dma_semaphore, #tpu.memory_space<semaphore_mem>>)
      %dma_wait3A = arith.constant 0 : i32
      %dma_wait3A_33 = tpu.memref_slice %arg8[%add3A_16, %dma_wait3A] : memref<10240x16xf32, #tpu.memory_space<vmem_shared>> -> memref<128x16xf32, #tpu.memory_space<vmem_shared>>
      %dma_wait3A_34 = arith.constant 0 : i32
      %dma_wait3A_35 = tpu.memref_slice %arg8[%add3A_16, %dma_wait3A_34] : memref<10240x16xf32, #tpu.memory_space<vmem_shared>> -> memref<128x16xf32, #tpu.memory_space<vmem_shared>>
      tpu.wait_dma2 semaphore(%run_scoped3A : memref<!tpu.dma_semaphore, #tpu.memory_space<semaphore_mem>>) src(%arg7 : memref<128x16xf32, #tpu.memory_space<vmem>>) dst(%dma_wait3A_35 : memref<128x16xf32, #tpu.memory_space<vmem_shared>>)
      tpu.yield
    }) : () -> ()
    %mul3A_17 = arith.constant 640 : i32
    %mul3A_18 = arith.muli %arg1, %mul3A_17 : i32
    %add3A_19 = arith.constant 512 : i32
    %add3A_20 = arith.addi %mul3A_18, %add3A_19 : i32
    "tpu.region"() ({
      %run_scoped3A = tpu.sem_alloc : memref<!tpu.dma_semaphore, #tpu.memory_space<semaphore_mem>>
      %dma_start3A = arith.constant 0 : i32
      %dma_start3A_30 = tpu.memref_slice %arg8[%add3A_20, %dma_start3A] : memref<10240x16xf32, #tpu.memory_space<vmem_shared>> -> memref<128x16xf32, #tpu.memory_space<vmem_shared>>
      %dma_start3A_31 = arith.constant 0 : i32
      %dma_start3A_32 = tpu.memref_slice %arg8[%add3A_20, %dma_start3A_31] : memref<10240x16xf32, #tpu.memory_space<vmem_shared>> -> memref<128x16xf32, #tpu.memory_space<vmem_shared>>
      tpu.enqueue_dma source(%arg7 : memref<128x16xf32, #tpu.memory_space<vmem>>) target(%dma_start3A_32 : memref<128x16xf32, #tpu.memory_space<vmem_shared>>) target_semaphore(%run_scoped3A : memref<!tpu.dma_semaphore, #tpu.memory_space<semaphore_mem>>)
      %dma_wait3A = arith.constant 0 : i32
      %dma_wait3A_33 = tpu.memref_slice %arg8[%add3A_20, %dma_wait3A] : memref<10240x16xf32, #tpu.memory_space<vmem_shared>> -> memref<128x16xf32, #tpu.memory_space<vmem_shared>>
      %dma_wait3A_34 = arith.constant 0 : i32
      %dma_wait3A_35 = tpu.memref_slice %arg8[%add3A_20, %dma_wait3A_34] : memref<10240x16xf32, #tpu.memory_space<vmem_shared>> -> memref<128x16xf32, #tpu.memory_space<vmem_shared>>
      tpu.wait_dma2 semaphore(%run_scoped3A : memref<!tpu.dma_semaphore, #tpu.memory_space<semaphore_mem>>) src(%arg7 : memref<128x16xf32, #tpu.memory_space<vmem>>) dst(%dma_wait3A_35 : memref<128x16xf32, #tpu.memory_space<vmem_shared>>)
      tpu.yield
    }) : () -> ()
    "tpu.region"() ({
      %run_scoped3A = tpu.sem_alloc : memref<!tpu.dma_semaphore, #tpu.memory_space<semaphore_mem>>
      tpu.enqueue_dma source(%arg4 : memref<128x16xf32, #tpu.memory_space<hbm>>) target(%arg7 : memref<128x16xf32, #tpu.memory_space<vmem>>) target_semaphore(%run_scoped3A : memref<!tpu.dma_semaphore, #tpu.memory_space<semaphore_mem>>)
      tpu.wait_dma2 semaphore(%run_scoped3A : memref<!tpu.dma_semaphore, #tpu.memory_space<semaphore_mem>>) src(%arg4 : memref<128x16xf32, #tpu.memory_space<hbm>>) dst(%arg7 : memref<128x16xf32, #tpu.memory_space<vmem>>)
      tpu.yield
    }) : () -> ()
    %barrier3A = arith.constant 0 : index
    tpu.barrier barrier_id(%barrier3A)
    %scan3A = arith.constant 0 : i32
    %scan3A_21 = arith.constant 80 : i32
    %scan3A_22 = arith.addi %scan3A, %scan3A_21 : i32
    %scan3A_23 = arith.constant 1 : i32
    scf.for %scan3A_30 = %scan3A to %scan3A_22 step %scan3A_23  : i32 {
      %mul3A_31 = arith.constant 1 : i32
      %mul3A_32 = arith.muli %scan3A_30, %mul3A_31 : i32
      %add3A_33 = arith.constant 0 : i32
      %add3A_34 = arith.addi %add3A_33, %mul3A_32 : i32
      "tpu.region"() ({
        %run_scoped3A = tpu.sem_alloc : memref<!tpu.dma_semaphore, #tpu.memory_space<semaphore_mem>>
        %dma_start3A = arith.constant 0 : i32
        %dma_start3A_35 = tpu.memref_slice %arg6[%add3A_34, %dma_start3A] : memref<80x128xi32, #tpu.memory_space<vmem>> -> memref<1x128xi32, #tpu.memory_space<vmem>>
        %dma_start3A_36 = tpu.memref_squeeze %dma_start3A_35 : memref<1x128xi32, #tpu.memory_space<vmem>> -> memref<128xi32, #tpu.memory_space<vmem>>
        %dma_start3A_37 = arith.constant 0 : i32
        %dma_start3A_38 = arith.constant 0 : i32
        %dma_start3A_39 = tpu.memref_slice %arg8[%dma_start3A_37, %dma_start3A_38] : memref<10240x16xf32, #tpu.memory_space<vmem_shared>> -> memref<10240x16xf32, #tpu.memory_space<vmem_shared>>
        tpu.enqueue_indirect_dma source(%arg7 : memref<128x16xf32, #tpu.memory_space<vmem>>) target(%dma_start3A_39 : memref<10240x16xf32, #tpu.memory_space<vmem_shared>>) offsets(%dma_start3A_36 : memref<128xi32, #tpu.memory_space<vmem>>) semaphore(%run_scoped3A : memref<!tpu.dma_semaphore, #tpu.memory_space<semaphore_mem>>) {add = true}
        %dma_wait3A = arith.constant 0 : i32
        %dma_wait3A_40 = tpu.memref_slice %arg6[%add3A_34, %dma_wait3A] : memref<80x128xi32, #tpu.memory_space<vmem>> -> memref<1x128xi32, #tpu.memory_space<vmem>>
        %dma_wait3A_41 = tpu.memref_squeeze %dma_wait3A_40 : memref<1x128xi32, #tpu.memory_space<vmem>> -> memref<128xi32, #tpu.memory_space<vmem>>
        %dma_wait3A_42 = arith.constant 0 : i32
        %dma_wait3A_43 = arith.constant 0 : i32
        %dma_wait3A_44 = tpu.memref_slice %arg8[%dma_wait3A_42, %dma_wait3A_43] : memref<10240x16xf32, #tpu.memory_space<vmem_shared>> -> memref<10240x16xf32, #tpu.memory_space<vmem_shared>>
        tpu.wait_indirect_dma semaphore(%run_scoped3A : memref<!tpu.dma_semaphore, #tpu.memory_space<semaphore_mem>>) src(%arg7 : memref<128x16xf32, #tpu.memory_space<vmem>>) dst(%dma_wait3A_44 : memref<10240x16xf32, #tpu.memory_space<vmem_shared>>)
        tpu.yield
      }) : () -> ()
    }
    %scan3A_24 = arith.constant 80 : i32
    %barrier3A_25 = arith.constant 0 : index
    tpu.barrier barrier_id(%barrier3A_25)
    %mul3A_26 = arith.constant 640 : i32
    %mul3A_27 = arith.muli %arg1, %mul3A_26 : i32
    %mul3A_28 = arith.constant 640 : i32
    %mul3A_29 = arith.muli %arg1, %mul3A_28 : i32
    "tpu.region"() ({
      %run_scoped3A = tpu.sem_alloc : memref<!tpu.dma_semaphore, #tpu.memory_space<semaphore_mem>>
      %dma_start3A = arith.constant 0 : i32
      %dma_start3A_30 = tpu.memref_slice %arg5[%arg0, %mul3A_29, %dma_start3A] : memref<2x10240x16xf32, #tpu.memory_space<hbm>> -> memref<1x640x16xf32, #tpu.memory_space<hbm>>
      %dma_start3A_31 = tpu.memref_squeeze %dma_start3A_30 : memref<1x640x16xf32, #tpu.memory_space<hbm>> -> memref<640x16xf32, #tpu.memory_space<hbm>>
      %dma_start3A_32 = arith.constant 0 : i32
      %dma_start3A_33 = tpu.memref_slice %arg8[%mul3A_27, %dma_start3A_32] : memref<10240x16xf32, #tpu.memory_space<vmem_shared>> -> memref<640x16xf32, #tpu.memory_space<vmem_shared>>
      tpu.enqueue_dma source(%dma_start3A_33 : memref<640x16xf32, #tpu.memory_space<vmem_shared>>) target(%dma_start3A_31 : memref<640x16xf32, #tpu.memory_space<hbm>>) target_semaphore(%run_scoped3A : memref<!tpu.dma_semaphore, #tpu.memory_space<semaphore_mem>>)
      %dma_wait3A = arith.constant 0 : i32
      %dma_wait3A_34 = tpu.memref_slice %arg5[%arg0, %mul3A_29, %dma_wait3A] : memref<2x10240x16xf32, #tpu.memory_space<hbm>> -> memref<1x640x16xf32, #tpu.memory_space<hbm>>
      %dma_wait3A_35 = tpu.memref_squeeze %dma_wait3A_34 : memref<1x640x16xf32, #tpu.memory_space<hbm>> -> memref<640x16xf32, #tpu.memory_space<hbm>>
      %dma_wait3A_36 = arith.constant 0 : i32
      %dma_wait3A_37 = tpu.memref_slice %arg8[%mul3A_27, %dma_wait3A_36] : memref<10240x16xf32, #tpu.memory_space<vmem_shared>> -> memref<640x16xf32, #tpu.memory_space<vmem_shared>>
      tpu.wait_dma2 semaphore(%run_scoped3A : memref<!tpu.dma_semaphore, #tpu.memory_space<semaphore_mem>>) src(%dma_wait3A_37 : memref<640x16xf32, #tpu.memory_space<vmem_shared>>) dst(%dma_wait3A_35 : memref<640x16xf32, #tpu.memory_space<hbm>>)
      tpu.yield
    }) : () -> ()
    return
  }
}

#map = affine_map<(d0, d1) -> (0, 0)>
#map1 = affine_map<(d0, d1) -> (0, 0, 0)>
module attributes {stable_mosaic.version = 14 : i64} {
  func.func @sc_scatter(%arg0: i32, %arg1: i32, %arg2: memref<10000x64xf32, #tpu.memory_space<hbm>>, %arg3: memref<32x80x128xi32, #tpu.memory_space<hbm>>, %arg4: memref<32x80x128xi32, #tpu.memory_space<hbm>>, %arg5: memref<128x64xf32, #tpu.memory_space<hbm>>, %arg6: memref<2x10240x64xf32, #tpu.memory_space<hbm>>, %arg7: memref<80x128xi32, #tpu.memory_space<vmem>>, %arg8: memref<80x128xi32, #tpu.memory_space<vmem>>, %arg9: memref<128x64xf32, #tpu.memory_space<vmem>>, %arg10: memref<10240x64xf32, #tpu.memory_space<vmem_shared>>, %arg11: memref<!tpu.dma_semaphore, #tpu.memory_space<semaphore_mem>>) attributes {dimension_semantics = [#tpu.dimension_semantics<core_parallel>, #tpu.dimension_semantics<subcore_parallel>], iteration_bounds = array<i64: 2, 16>, scalar_prefetch = 0 : i64, scratch_operands = 5 : i64, tpu.core_type = #tpu.core_type<sc_vector_subcore>, window_params = [{transform_indices = #map}, {transform_indices = #map1}, {transform_indices = #map1}, {transform_indices = #map}, {transform_indices = #map1}]} {
    %mul3A = arith.constant 16 : i32
    %mul3A_0 = arith.muli %arg0, %mul3A : i32
    %add3A = arith.addi %mul3A_0, %arg1 : i32
    "tpu.region"() ({
      %run_scoped3A = tpu.sem_alloc : memref<!tpu.dma_semaphore, #tpu.memory_space<semaphore_mem>>
      %dma_start3A = arith.constant 0 : i32
      %dma_start3A_30 = arith.constant 0 : i32
      %dma_start3A_31 = tpu.memref_slice %arg3[%add3A, %dma_start3A, %dma_start3A_30] : memref<32x80x128xi32, #tpu.memory_space<hbm>> -> memref<1x80x128xi32, #tpu.memory_space<hbm>>
      %dma_start3A_32 = tpu.memref_squeeze %dma_start3A_31 : memref<1x80x128xi32, #tpu.memory_space<hbm>> -> memref<80x128xi32, #tpu.memory_space<hbm>>
      %dma_start3A_33 = arith.constant 0 : i32
      %dma_start3A_34 = arith.constant 0 : i32
      %dma_start3A_35 = tpu.memref_slice %arg3[%add3A, %dma_start3A_33, %dma_start3A_34] : memref<32x80x128xi32, #tpu.memory_space<hbm>> -> memref<1x80x128xi32, #tpu.memory_space<hbm>>
      %dma_start3A_36 = tpu.memref_squeeze %dma_start3A_35 : memref<1x80x128xi32, #tpu.memory_space<hbm>> -> memref<80x128xi32, #tpu.memory_space<hbm>>
      tpu.enqueue_dma source(%dma_start3A_36 : memref<80x128xi32, #tpu.memory_space<hbm>>) target(%arg7 : memref<80x128xi32, #tpu.memory_space<vmem>>) target_semaphore(%run_scoped3A : memref<!tpu.dma_semaphore, #tpu.memory_space<semaphore_mem>>)
      %dma_wait3A = arith.constant 0 : i32
      %dma_wait3A_37 = arith.constant 0 : i32
      %dma_wait3A_38 = tpu.memref_slice %arg3[%add3A, %dma_wait3A, %dma_wait3A_37] : memref<32x80x128xi32, #tpu.memory_space<hbm>> -> memref<1x80x128xi32, #tpu.memory_space<hbm>>
      %dma_wait3A_39 = tpu.memref_squeeze %dma_wait3A_38 : memref<1x80x128xi32, #tpu.memory_space<hbm>> -> memref<80x128xi32, #tpu.memory_space<hbm>>
      %dma_wait3A_40 = arith.constant 0 : i32
      %dma_wait3A_41 = arith.constant 0 : i32
      %dma_wait3A_42 = tpu.memref_slice %arg3[%add3A, %dma_wait3A_40, %dma_wait3A_41] : memref<32x80x128xi32, #tpu.memory_space<hbm>> -> memref<1x80x128xi32, #tpu.memory_space<hbm>>
      %dma_wait3A_43 = tpu.memref_squeeze %dma_wait3A_42 : memref<1x80x128xi32, #tpu.memory_space<hbm>> -> memref<80x128xi32, #tpu.memory_space<hbm>>
      tpu.wait_dma2 semaphore(%run_scoped3A : memref<!tpu.dma_semaphore, #tpu.memory_space<semaphore_mem>>) src(%dma_wait3A_43 : memref<80x128xi32, #tpu.memory_space<hbm>>) dst(%arg7 : memref<80x128xi32, #tpu.memory_space<vmem>>)
      tpu.yield
    }) : () -> ()
    "tpu.region"() ({
      %run_scoped3A = tpu.sem_alloc : memref<!tpu.dma_semaphore, #tpu.memory_space<semaphore_mem>>
      %dma_start3A = arith.constant 0 : i32
      %dma_start3A_30 = arith.constant 0 : i32
      %dma_start3A_31 = tpu.memref_slice %arg4[%add3A, %dma_start3A, %dma_start3A_30] : memref<32x80x128xi32, #tpu.memory_space<hbm>> -> memref<1x80x128xi32, #tpu.memory_space<hbm>>
      %dma_start3A_32 = tpu.memref_squeeze %dma_start3A_31 : memref<1x80x128xi32, #tpu.memory_space<hbm>> -> memref<80x128xi32, #tpu.memory_space<hbm>>
      %dma_start3A_33 = arith.constant 0 : i32
      %dma_start3A_34 = arith.constant 0 : i32
      %dma_start3A_35 = tpu.memref_slice %arg4[%add3A, %dma_start3A_33, %dma_start3A_34] : memref<32x80x128xi32, #tpu.memory_space<hbm>> -> memref<1x80x128xi32, #tpu.memory_space<hbm>>
      %dma_start3A_36 = tpu.memref_squeeze %dma_start3A_35 : memref<1x80x128xi32, #tpu.memory_space<hbm>> -> memref<80x128xi32, #tpu.memory_space<hbm>>
      tpu.enqueue_dma source(%dma_start3A_36 : memref<80x128xi32, #tpu.memory_space<hbm>>) target(%arg8 : memref<80x128xi32, #tpu.memory_space<vmem>>) target_semaphore(%run_scoped3A : memref<!tpu.dma_semaphore, #tpu.memory_space<semaphore_mem>>)
      %dma_wait3A = arith.constant 0 : i32
      %dma_wait3A_37 = arith.constant 0 : i32
      %dma_wait3A_38 = tpu.memref_slice %arg4[%add3A, %dma_wait3A, %dma_wait3A_37] : memref<32x80x128xi32, #tpu.memory_space<hbm>> -> memref<1x80x128xi32, #tpu.memory_space<hbm>>
      %dma_wait3A_39 = tpu.memref_squeeze %dma_wait3A_38 : memref<1x80x128xi32, #tpu.memory_space<hbm>> -> memref<80x128xi32, #tpu.memory_space<hbm>>
      %dma_wait3A_40 = arith.constant 0 : i32
      %dma_wait3A_41 = arith.constant 0 : i32
      %dma_wait3A_42 = tpu.memref_slice %arg4[%add3A, %dma_wait3A_40, %dma_wait3A_41] : memref<32x80x128xi32, #tpu.memory_space<hbm>> -> memref<1x80x128xi32, #tpu.memory_space<hbm>>
      %dma_wait3A_43 = tpu.memref_squeeze %dma_wait3A_42 : memref<1x80x128xi32, #tpu.memory_space<hbm>> -> memref<80x128xi32, #tpu.memory_space<hbm>>
      tpu.wait_dma2 semaphore(%run_scoped3A : memref<!tpu.dma_semaphore, #tpu.memory_space<semaphore_mem>>) src(%dma_wait3A_43 : memref<80x128xi32, #tpu.memory_space<hbm>>) dst(%arg8 : memref<80x128xi32, #tpu.memory_space<vmem>>)
      tpu.yield
    }) : () -> ()
    "tpu.region"() ({
      %run_scoped3A = tpu.sem_alloc : memref<!tpu.dma_semaphore, #tpu.memory_space<semaphore_mem>>
      tpu.enqueue_dma source(%arg5 : memref<128x64xf32, #tpu.memory_space<hbm>>) target(%arg9 : memref<128x64xf32, #tpu.memory_space<vmem>>) target_semaphore(%run_scoped3A : memref<!tpu.dma_semaphore, #tpu.memory_space<semaphore_mem>>)
      tpu.wait_dma2 semaphore(%run_scoped3A : memref<!tpu.dma_semaphore, #tpu.memory_space<semaphore_mem>>) src(%arg5 : memref<128x64xf32, #tpu.memory_space<hbm>>) dst(%arg9 : memref<128x64xf32, #tpu.memory_space<vmem>>)
      tpu.yield
    }) : () -> ()
    %mul3A_1 = arith.constant 640 : i32
    %mul3A_2 = arith.muli %arg1, %mul3A_1 : i32
    %add3A_3 = arith.constant 0 : i32
    %add3A_4 = arith.addi %mul3A_2, %add3A_3 : i32
    "tpu.region"() ({
      %run_scoped3A = tpu.sem_alloc : memref<!tpu.dma_semaphore, #tpu.memory_space<semaphore_mem>>
      %dma_start3A = arith.constant 0 : i32
      %dma_start3A_30 = tpu.memref_slice %arg10[%add3A_4, %dma_start3A] : memref<10240x64xf32, #tpu.memory_space<vmem_shared>> -> memref<128x64xf32, #tpu.memory_space<vmem_shared>>
      %dma_start3A_31 = arith.constant 0 : i32
      %dma_start3A_32 = tpu.memref_slice %arg10[%add3A_4, %dma_start3A_31] : memref<10240x64xf32, #tpu.memory_space<vmem_shared>> -> memref<128x64xf32, #tpu.memory_space<vmem_shared>>
      tpu.enqueue_dma source(%arg9 : memref<128x64xf32, #tpu.memory_space<vmem>>) target(%dma_start3A_32 : memref<128x64xf32, #tpu.memory_space<vmem_shared>>) target_semaphore(%run_scoped3A : memref<!tpu.dma_semaphore, #tpu.memory_space<semaphore_mem>>)
      %dma_wait3A = arith.constant 0 : i32
      %dma_wait3A_33 = tpu.memref_slice %arg10[%add3A_4, %dma_wait3A] : memref<10240x64xf32, #tpu.memory_space<vmem_shared>> -> memref<128x64xf32, #tpu.memory_space<vmem_shared>>
      %dma_wait3A_34 = arith.constant 0 : i32
      %dma_wait3A_35 = tpu.memref_slice %arg10[%add3A_4, %dma_wait3A_34] : memref<10240x64xf32, #tpu.memory_space<vmem_shared>> -> memref<128x64xf32, #tpu.memory_space<vmem_shared>>
      tpu.wait_dma2 semaphore(%run_scoped3A : memref<!tpu.dma_semaphore, #tpu.memory_space<semaphore_mem>>) src(%arg9 : memref<128x64xf32, #tpu.memory_space<vmem>>) dst(%dma_wait3A_35 : memref<128x64xf32, #tpu.memory_space<vmem_shared>>)
      tpu.yield
    }) : () -> ()
    %mul3A_5 = arith.constant 640 : i32
    %mul3A_6 = arith.muli %arg1, %mul3A_5 : i32
    %add3A_7 = arith.constant 128 : i32
    %add3A_8 = arith.addi %mul3A_6, %add3A_7 : i32
    "tpu.region"() ({
      %run_scoped3A = tpu.sem_alloc : memref<!tpu.dma_semaphore, #tpu.memory_space<semaphore_mem>>
      %dma_start3A = arith.constant 0 : i32
      %dma_start3A_30 = tpu.memref_slice %arg10[%add3A_8, %dma_start3A] : memref<10240x64xf32, #tpu.memory_space<vmem_shared>> -> memref<128x64xf32, #tpu.memory_space<vmem_shared>>
      %dma_start3A_31 = arith.constant 0 : i32
      %dma_start3A_32 = tpu.memref_slice %arg10[%add3A_8, %dma_start3A_31] : memref<10240x64xf32, #tpu.memory_space<vmem_shared>> -> memref<128x64xf32, #tpu.memory_space<vmem_shared>>
      tpu.enqueue_dma source(%arg9 : memref<128x64xf32, #tpu.memory_space<vmem>>) target(%dma_start3A_32 : memref<128x64xf32, #tpu.memory_space<vmem_shared>>) target_semaphore(%run_scoped3A : memref<!tpu.dma_semaphore, #tpu.memory_space<semaphore_mem>>)
      %dma_wait3A = arith.constant 0 : i32
      %dma_wait3A_33 = tpu.memref_slice %arg10[%add3A_8, %dma_wait3A] : memref<10240x64xf32, #tpu.memory_space<vmem_shared>> -> memref<128x64xf32, #tpu.memory_space<vmem_shared>>
      %dma_wait3A_34 = arith.constant 0 : i32
      %dma_wait3A_35 = tpu.memref_slice %arg10[%add3A_8, %dma_wait3A_34] : memref<10240x64xf32, #tpu.memory_space<vmem_shared>> -> memref<128x64xf32, #tpu.memory_space<vmem_shared>>
      tpu.wait_dma2 semaphore(%run_scoped3A : memref<!tpu.dma_semaphore, #tpu.memory_space<semaphore_mem>>) src(%arg9 : memref<128x64xf32, #tpu.memory_space<vmem>>) dst(%dma_wait3A_35 : memref<128x64xf32, #tpu.memory_space<vmem_shared>>)
      tpu.yield
    }) : () -> ()
    %mul3A_9 = arith.constant 640 : i32
    %mul3A_10 = arith.muli %arg1, %mul3A_9 : i32
    %add3A_11 = arith.constant 256 : i32
    %add3A_12 = arith.addi %mul3A_10, %add3A_11 : i32
    "tpu.region"() ({
      %run_scoped3A = tpu.sem_alloc : memref<!tpu.dma_semaphore, #tpu.memory_space<semaphore_mem>>
      %dma_start3A = arith.constant 0 : i32
      %dma_start3A_30 = tpu.memref_slice %arg10[%add3A_12, %dma_start3A] : memref<10240x64xf32, #tpu.memory_space<vmem_shared>> -> memref<128x64xf32, #tpu.memory_space<vmem_shared>>
      %dma_start3A_31 = arith.constant 0 : i32
      %dma_start3A_32 = tpu.memref_slice %arg10[%add3A_12, %dma_start3A_31] : memref<10240x64xf32, #tpu.memory_space<vmem_shared>> -> memref<128x64xf32, #tpu.memory_space<vmem_shared>>
      tpu.enqueue_dma source(%arg9 : memref<128x64xf32, #tpu.memory_space<vmem>>) target(%dma_start3A_32 : memref<128x64xf32, #tpu.memory_space<vmem_shared>>) target_semaphore(%run_scoped3A : memref<!tpu.dma_semaphore, #tpu.memory_space<semaphore_mem>>)
      %dma_wait3A = arith.constant 0 : i32
      %dma_wait3A_33 = tpu.memref_slice %arg10[%add3A_12, %dma_wait3A] : memref<10240x64xf32, #tpu.memory_space<vmem_shared>> -> memref<128x64xf32, #tpu.memory_space<vmem_shared>>
      %dma_wait3A_34 = arith.constant 0 : i32
      %dma_wait3A_35 = tpu.memref_slice %arg10[%add3A_12, %dma_wait3A_34] : memref<10240x64xf32, #tpu.memory_space<vmem_shared>> -> memref<128x64xf32, #tpu.memory_space<vmem_shared>>
      tpu.wait_dma2 semaphore(%run_scoped3A : memref<!tpu.dma_semaphore, #tpu.memory_space<semaphore_mem>>) src(%arg9 : memref<128x64xf32, #tpu.memory_space<vmem>>) dst(%dma_wait3A_35 : memref<128x64xf32, #tpu.memory_space<vmem_shared>>)
      tpu.yield
    }) : () -> ()
    %mul3A_13 = arith.constant 640 : i32
    %mul3A_14 = arith.muli %arg1, %mul3A_13 : i32
    %add3A_15 = arith.constant 384 : i32
    %add3A_16 = arith.addi %mul3A_14, %add3A_15 : i32
    "tpu.region"() ({
      %run_scoped3A = tpu.sem_alloc : memref<!tpu.dma_semaphore, #tpu.memory_space<semaphore_mem>>
      %dma_start3A = arith.constant 0 : i32
      %dma_start3A_30 = tpu.memref_slice %arg10[%add3A_16, %dma_start3A] : memref<10240x64xf32, #tpu.memory_space<vmem_shared>> -> memref<128x64xf32, #tpu.memory_space<vmem_shared>>
      %dma_start3A_31 = arith.constant 0 : i32
      %dma_start3A_32 = tpu.memref_slice %arg10[%add3A_16, %dma_start3A_31] : memref<10240x64xf32, #tpu.memory_space<vmem_shared>> -> memref<128x64xf32, #tpu.memory_space<vmem_shared>>
      tpu.enqueue_dma source(%arg9 : memref<128x64xf32, #tpu.memory_space<vmem>>) target(%dma_start3A_32 : memref<128x64xf32, #tpu.memory_space<vmem_shared>>) target_semaphore(%run_scoped3A : memref<!tpu.dma_semaphore, #tpu.memory_space<semaphore_mem>>)
      %dma_wait3A = arith.constant 0 : i32
      %dma_wait3A_33 = tpu.memref_slice %arg10[%add3A_16, %dma_wait3A] : memref<10240x64xf32, #tpu.memory_space<vmem_shared>> -> memref<128x64xf32, #tpu.memory_space<vmem_shared>>
      %dma_wait3A_34 = arith.constant 0 : i32
      %dma_wait3A_35 = tpu.memref_slice %arg10[%add3A_16, %dma_wait3A_34] : memref<10240x64xf32, #tpu.memory_space<vmem_shared>> -> memref<128x64xf32, #tpu.memory_space<vmem_shared>>
      tpu.wait_dma2 semaphore(%run_scoped3A : memref<!tpu.dma_semaphore, #tpu.memory_space<semaphore_mem>>) src(%arg9 : memref<128x64xf32, #tpu.memory_space<vmem>>) dst(%dma_wait3A_35 : memref<128x64xf32, #tpu.memory_space<vmem_shared>>)
      tpu.yield
    }) : () -> ()
    %mul3A_17 = arith.constant 640 : i32
    %mul3A_18 = arith.muli %arg1, %mul3A_17 : i32
    %add3A_19 = arith.constant 512 : i32
    %add3A_20 = arith.addi %mul3A_18, %add3A_19 : i32
    "tpu.region"() ({
      %run_scoped3A = tpu.sem_alloc : memref<!tpu.dma_semaphore, #tpu.memory_space<semaphore_mem>>
      %dma_start3A = arith.constant 0 : i32
      %dma_start3A_30 = tpu.memref_slice %arg10[%add3A_20, %dma_start3A] : memref<10240x64xf32, #tpu.memory_space<vmem_shared>> -> memref<128x64xf32, #tpu.memory_space<vmem_shared>>
      %dma_start3A_31 = arith.constant 0 : i32
      %dma_start3A_32 = tpu.memref_slice %arg10[%add3A_20, %dma_start3A_31] : memref<10240x64xf32, #tpu.memory_space<vmem_shared>> -> memref<128x64xf32, #tpu.memory_space<vmem_shared>>
      tpu.enqueue_dma source(%arg9 : memref<128x64xf32, #tpu.memory_space<vmem>>) target(%dma_start3A_32 : memref<128x64xf32, #tpu.memory_space<vmem_shared>>) target_semaphore(%run_scoped3A : memref<!tpu.dma_semaphore, #tpu.memory_space<semaphore_mem>>)
      %dma_wait3A = arith.constant 0 : i32
      %dma_wait3A_33 = tpu.memref_slice %arg10[%add3A_20, %dma_wait3A] : memref<10240x64xf32, #tpu.memory_space<vmem_shared>> -> memref<128x64xf32, #tpu.memory_space<vmem_shared>>
      %dma_wait3A_34 = arith.constant 0 : i32
      %dma_wait3A_35 = tpu.memref_slice %arg10[%add3A_20, %dma_wait3A_34] : memref<10240x64xf32, #tpu.memory_space<vmem_shared>> -> memref<128x64xf32, #tpu.memory_space<vmem_shared>>
      tpu.wait_dma2 semaphore(%run_scoped3A : memref<!tpu.dma_semaphore, #tpu.memory_space<semaphore_mem>>) src(%arg9 : memref<128x64xf32, #tpu.memory_space<vmem>>) dst(%dma_wait3A_35 : memref<128x64xf32, #tpu.memory_space<vmem_shared>>)
      tpu.yield
    }) : () -> ()
    %barrier3A = arith.constant 0 : index
    tpu.barrier barrier_id(%barrier3A)
    %scan3A = arith.constant 0 : i32
    %scan3A_21 = arith.constant 80 : i32
    %scan3A_22 = arith.addi %scan3A, %scan3A_21 : i32
    %scan3A_23 = arith.constant 1 : i32
    scf.for %scan3A_30 = %scan3A to %scan3A_22 step %scan3A_23  : i32 {
      %mul3A_31 = arith.constant 1 : i32
      %mul3A_32 = arith.muli %scan3A_30, %mul3A_31 : i32
      %add3A_33 = arith.constant 0 : i32
      %add3A_34 = arith.addi %add3A_33, %mul3A_32 : i32
      %dma_start3A = arith.constant 0 : i32
      %dma_start3A_35 = tpu.memref_slice %arg7[%add3A_34, %dma_start3A] : memref<80x128xi32, #tpu.memory_space<vmem>> -> memref<1x128xi32, #tpu.memory_space<vmem>>
      %dma_start3A_36 = tpu.memref_squeeze %dma_start3A_35 : memref<1x128xi32, #tpu.memory_space<vmem>> -> memref<128xi32, #tpu.memory_space<vmem>>
      %dma_start3A_37 = arith.constant 0 : i32
      %dma_start3A_38 = arith.constant 0 : i32
      %dma_start3A_39 = tpu.memref_slice %arg2[%dma_start3A_37, %dma_start3A_38] : memref<10000x64xf32, #tpu.memory_space<hbm>> -> memref<10000x64xf32, #tpu.memory_space<hbm>>
      tpu.enqueue_indirect_dma source(%dma_start3A_39 : memref<10000x64xf32, #tpu.memory_space<hbm>>) target(%arg9 : memref<128x64xf32, #tpu.memory_space<vmem>>) offsets(%dma_start3A_36 : memref<128xi32, #tpu.memory_space<vmem>>) semaphore(%arg11 : memref<!tpu.dma_semaphore, #tpu.memory_space<semaphore_mem>>)
      %dma_wait3A = arith.constant 0 : i32
      %dma_wait3A_40 = tpu.memref_slice %arg7[%add3A_34, %dma_wait3A] : memref<80x128xi32, #tpu.memory_space<vmem>> -> memref<1x128xi32, #tpu.memory_space<vmem>>
      %dma_wait3A_41 = tpu.memref_squeeze %dma_wait3A_40 : memref<1x128xi32, #tpu.memory_space<vmem>> -> memref<128xi32, #tpu.memory_space<vmem>>
      %dma_wait3A_42 = arith.constant 0 : i32
      %dma_wait3A_43 = arith.constant 0 : i32
      %dma_wait3A_44 = tpu.memref_slice %arg2[%dma_wait3A_42, %dma_wait3A_43] : memref<10000x64xf32, #tpu.memory_space<hbm>> -> memref<10000x64xf32, #tpu.memory_space<hbm>>
      tpu.wait_indirect_dma semaphore(%arg11 : memref<!tpu.dma_semaphore, #tpu.memory_space<semaphore_mem>>) src(%dma_wait3A_44 : memref<10000x64xf32, #tpu.memory_space<hbm>>) dst(%arg9 : memref<128x64xf32, #tpu.memory_space<vmem>>)
      "tpu.region"() ({
        %run_scoped3A = tpu.sem_alloc : memref<!tpu.dma_semaphore, #tpu.memory_space<semaphore_mem>>
        %dma_start3A_45 = arith.constant 0 : i32
        %dma_start3A_46 = tpu.memref_slice %arg8[%add3A_34, %dma_start3A_45] : memref<80x128xi32, #tpu.memory_space<vmem>> -> memref<1x128xi32, #tpu.memory_space<vmem>>
        %dma_start3A_47 = tpu.memref_squeeze %dma_start3A_46 : memref<1x128xi32, #tpu.memory_space<vmem>> -> memref<128xi32, #tpu.memory_space<vmem>>
        %dma_start3A_48 = arith.constant 0 : i32
        %dma_start3A_49 = arith.constant 0 : i32
        %dma_start3A_50 = tpu.memref_slice %arg10[%dma_start3A_48, %dma_start3A_49] : memref<10240x64xf32, #tpu.memory_space<vmem_shared>> -> memref<10240x64xf32, #tpu.memory_space<vmem_shared>>
        tpu.enqueue_indirect_dma source(%arg9 : memref<128x64xf32, #tpu.memory_space<vmem>>) target(%dma_start3A_50 : memref<10240x64xf32, #tpu.memory_space<vmem_shared>>) offsets(%dma_start3A_47 : memref<128xi32, #tpu.memory_space<vmem>>) semaphore(%run_scoped3A : memref<!tpu.dma_semaphore, #tpu.memory_space<semaphore_mem>>) {add = true}
        %dma_wait3A_51 = arith.constant 0 : i32
        %dma_wait3A_52 = tpu.memref_slice %arg8[%add3A_34, %dma_wait3A_51] : memref<80x128xi32, #tpu.memory_space<vmem>> -> memref<1x128xi32, #tpu.memory_space<vmem>>
        %dma_wait3A_53 = tpu.memref_squeeze %dma_wait3A_52 : memref<1x128xi32, #tpu.memory_space<vmem>> -> memref<128xi32, #tpu.memory_space<vmem>>
        %dma_wait3A_54 = arith.constant 0 : i32
        %dma_wait3A_55 = arith.constant 0 : i32
        %dma_wait3A_56 = tpu.memref_slice %arg10[%dma_wait3A_54, %dma_wait3A_55] : memref<10240x64xf32, #tpu.memory_space<vmem_shared>> -> memref<10240x64xf32, #tpu.memory_space<vmem_shared>>
        tpu.wait_indirect_dma semaphore(%run_scoped3A : memref<!tpu.dma_semaphore, #tpu.memory_space<semaphore_mem>>) src(%arg9 : memref<128x64xf32, #tpu.memory_space<vmem>>) dst(%dma_wait3A_56 : memref<10240x64xf32, #tpu.memory_space<vmem_shared>>)
        tpu.yield
      }) : () -> ()
    }
    %scan3A_24 = arith.constant 80 : i32
    %barrier3A_25 = arith.constant 0 : index
    tpu.barrier barrier_id(%barrier3A_25)
    %mul3A_26 = arith.constant 640 : i32
    %mul3A_27 = arith.muli %arg1, %mul3A_26 : i32
    %mul3A_28 = arith.constant 640 : i32
    %mul3A_29 = arith.muli %arg1, %mul3A_28 : i32
    "tpu.region"() ({
      %run_scoped3A = tpu.sem_alloc : memref<!tpu.dma_semaphore, #tpu.memory_space<semaphore_mem>>
      %dma_start3A = arith.constant 0 : i32
      %dma_start3A_30 = tpu.memref_slice %arg6[%arg0, %mul3A_29, %dma_start3A] : memref<2x10240x64xf32, #tpu.memory_space<hbm>> -> memref<1x640x64xf32, #tpu.memory_space<hbm>>
      %dma_start3A_31 = tpu.memref_squeeze %dma_start3A_30 : memref<1x640x64xf32, #tpu.memory_space<hbm>> -> memref<640x64xf32, #tpu.memory_space<hbm>>
      %dma_start3A_32 = arith.constant 0 : i32
      %dma_start3A_33 = tpu.memref_slice %arg10[%mul3A_27, %dma_start3A_32] : memref<10240x64xf32, #tpu.memory_space<vmem_shared>> -> memref<640x64xf32, #tpu.memory_space<vmem_shared>>
      tpu.enqueue_dma source(%dma_start3A_33 : memref<640x64xf32, #tpu.memory_space<vmem_shared>>) target(%dma_start3A_31 : memref<640x64xf32, #tpu.memory_space<hbm>>) target_semaphore(%run_scoped3A : memref<!tpu.dma_semaphore, #tpu.memory_space<semaphore_mem>>)
      %dma_wait3A = arith.constant 0 : i32
      %dma_wait3A_34 = tpu.memref_slice %arg6[%arg0, %mul3A_29, %dma_wait3A] : memref<2x10240x64xf32, #tpu.memory_space<hbm>> -> memref<1x640x64xf32, #tpu.memory_space<hbm>>
      %dma_wait3A_35 = tpu.memref_squeeze %dma_wait3A_34 : memref<1x640x64xf32, #tpu.memory_space<hbm>> -> memref<640x64xf32, #tpu.memory_space<hbm>>
      %dma_wait3A_36 = arith.constant 0 : i32
      %dma_wait3A_37 = tpu.memref_slice %arg10[%mul3A_27, %dma_wait3A_36] : memref<10240x64xf32, #tpu.memory_space<vmem_shared>> -> memref<640x64xf32, #tpu.memory_space<vmem_shared>>
      tpu.wait_dma2 semaphore(%run_scoped3A : memref<!tpu.dma_semaphore, #tpu.memory_space<semaphore_mem>>) src(%dma_wait3A_37 : memref<640x64xf32, #tpu.memory_space<vmem_shared>>) dst(%dma_wait3A_35 : memref<640x64xf32, #tpu.memory_space<hbm>>)
      tpu.yield
    }) : () -> ()
    return
  }
}

#map = affine_map<(d0, d1) -> (0, 0)>
#map1 = affine_map<(d0, d1) -> (0, 0, 0)>
module attributes {stable_mosaic.version = 14 : i64} {
  func.func @sc_scatter(%arg0: i32, %arg1: i32, %arg2: memref<10000x64xf32, #tpu.memory_space<hbm>>, %arg3: memref<32x80x128xi32, #tpu.memory_space<hbm>>, %arg4: memref<32x80x128xi32, #tpu.memory_space<hbm>>, %arg5: memref<128x64xf32, #tpu.memory_space<hbm>>, %arg6: memref<2x10240x64xf32, #tpu.memory_space<hbm>>, %arg7: memref<80x128xi32, #tpu.memory_space<vmem>>, %arg8: memref<80x128xi32, #tpu.memory_space<vmem>>, %arg9: memref<128x64xf32, #tpu.memory_space<vmem>>, %arg10: memref<10240x64xf32, #tpu.memory_space<vmem_shared>>, %arg11: memref<!tpu.dma_semaphore, #tpu.memory_space<semaphore_mem>>) attributes {dimension_semantics = [#tpu.dimension_semantics<core_parallel>, #tpu.dimension_semantics<subcore_parallel>], iteration_bounds = array<i64: 2, 16>, scalar_prefetch = 0 : i64, scratch_operands = 5 : i64, tpu.core_type = #tpu.core_type<sc_vector_subcore>, window_params = [{transform_indices = #map}, {transform_indices = #map1}, {transform_indices = #map1}, {transform_indices = #map}, {transform_indices = #map1}]} {
    %mul3A = arith.constant 16 : i32
    %mul3A_0 = arith.muli %arg0, %mul3A : i32
    %add3A = arith.addi %mul3A_0, %arg1 : i32
    "tpu.region"() ({
      %run_scoped3A = tpu.sem_alloc : memref<!tpu.dma_semaphore, #tpu.memory_space<semaphore_mem>>
      %dma_start3A = arith.constant 0 : i32
      %dma_start3A_30 = arith.constant 0 : i32
      %dma_start3A_31 = tpu.memref_slice %arg3[%add3A, %dma_start3A, %dma_start3A_30] : memref<32x80x128xi32, #tpu.memory_space<hbm>> -> memref<1x80x128xi32, #tpu.memory_space<hbm>>
      %dma_start3A_32 = tpu.memref_squeeze %dma_start3A_31 : memref<1x80x128xi32, #tpu.memory_space<hbm>> -> memref<80x128xi32, #tpu.memory_space<hbm>>
      %dma_start3A_33 = arith.constant 0 : i32
      %dma_start3A_34 = arith.constant 0 : i32
      %dma_start3A_35 = tpu.memref_slice %arg3[%add3A, %dma_start3A_33, %dma_start3A_34] : memref<32x80x128xi32, #tpu.memory_space<hbm>> -> memref<1x80x128xi32, #tpu.memory_space<hbm>>
      %dma_start3A_36 = tpu.memref_squeeze %dma_start3A_35 : memref<1x80x128xi32, #tpu.memory_space<hbm>> -> memref<80x128xi32, #tpu.memory_space<hbm>>
      tpu.enqueue_dma source(%dma_start3A_36 : memref<80x128xi32, #tpu.memory_space<hbm>>) target(%arg7 : memref<80x128xi32, #tpu.memory_space<vmem>>) target_semaphore(%run_scoped3A : memref<!tpu.dma_semaphore, #tpu.memory_space<semaphore_mem>>)
      %dma_wait3A = arith.constant 0 : i32
      %dma_wait3A_37 = arith.constant 0 : i32
      %dma_wait3A_38 = tpu.memref_slice %arg3[%add3A, %dma_wait3A, %dma_wait3A_37] : memref<32x80x128xi32, #tpu.memory_space<hbm>> -> memref<1x80x128xi32, #tpu.memory_space<hbm>>
      %dma_wait3A_39 = tpu.memref_squeeze %dma_wait3A_38 : memref<1x80x128xi32, #tpu.memory_space<hbm>> -> memref<80x128xi32, #tpu.memory_space<hbm>>
      %dma_wait3A_40 = arith.constant 0 : i32
      %dma_wait3A_41 = arith.constant 0 : i32
      %dma_wait3A_42 = tpu.memref_slice %arg3[%add3A, %dma_wait3A_40, %dma_wait3A_41] : memref<32x80x128xi32, #tpu.memory_space<hbm>> -> memref<1x80x128xi32, #tpu.memory_space<hbm>>
      %dma_wait3A_43 = tpu.memref_squeeze %dma_wait3A_42 : memref<1x80x128xi32, #tpu.memory_space<hbm>> -> memref<80x128xi32, #tpu.memory_space<hbm>>
      tpu.wait_dma2 semaphore(%run_scoped3A : memref<!tpu.dma_semaphore, #tpu.memory_space<semaphore_mem>>) src(%dma_wait3A_43 : memref<80x128xi32, #tpu.memory_space<hbm>>) dst(%arg7 : memref<80x128xi32, #tpu.memory_space<vmem>>)
      tpu.yield
    }) : () -> ()
    "tpu.region"() ({
      %run_scoped3A = tpu.sem_alloc : memref<!tpu.dma_semaphore, #tpu.memory_space<semaphore_mem>>
      %dma_start3A = arith.constant 0 : i32
      %dma_start3A_30 = arith.constant 0 : i32
      %dma_start3A_31 = tpu.memref_slice %arg4[%add3A, %dma_start3A, %dma_start3A_30] : memref<32x80x128xi32, #tpu.memory_space<hbm>> -> memref<1x80x128xi32, #tpu.memory_space<hbm>>
      %dma_start3A_32 = tpu.memref_squeeze %dma_start3A_31 : memref<1x80x128xi32, #tpu.memory_space<hbm>> -> memref<80x128xi32, #tpu.memory_space<hbm>>
      %dma_start3A_33 = arith.constant 0 : i32
      %dma_start3A_34 = arith.constant 0 : i32
      %dma_start3A_35 = tpu.memref_slice %arg4[%add3A, %dma_start3A_33, %dma_start3A_34] : memref<32x80x128xi32, #tpu.memory_space<hbm>> -> memref<1x80x128xi32, #tpu.memory_space<hbm>>
      %dma_start3A_36 = tpu.memref_squeeze %dma_start3A_35 : memref<1x80x128xi32, #tpu.memory_space<hbm>> -> memref<80x128xi32, #tpu.memory_space<hbm>>
      tpu.enqueue_dma source(%dma_start3A_36 : memref<80x128xi32, #tpu.memory_space<hbm>>) target(%arg8 : memref<80x128xi32, #tpu.memory_space<vmem>>) target_semaphore(%run_scoped3A : memref<!tpu.dma_semaphore, #tpu.memory_space<semaphore_mem>>)
      %dma_wait3A = arith.constant 0 : i32
      %dma_wait3A_37 = arith.constant 0 : i32
      %dma_wait3A_38 = tpu.memref_slice %arg4[%add3A, %dma_wait3A, %dma_wait3A_37] : memref<32x80x128xi32, #tpu.memory_space<hbm>> -> memref<1x80x128xi32, #tpu.memory_space<hbm>>
      %dma_wait3A_39 = tpu.memref_squeeze %dma_wait3A_38 : memref<1x80x128xi32, #tpu.memory_space<hbm>> -> memref<80x128xi32, #tpu.memory_space<hbm>>
      %dma_wait3A_40 = arith.constant 0 : i32
      %dma_wait3A_41 = arith.constant 0 : i32
      %dma_wait3A_42 = tpu.memref_slice %arg4[%add3A, %dma_wait3A_40, %dma_wait3A_41] : memref<32x80x128xi32, #tpu.memory_space<hbm>> -> memref<1x80x128xi32, #tpu.memory_space<hbm>>
      %dma_wait3A_43 = tpu.memref_squeeze %dma_wait3A_42 : memref<1x80x128xi32, #tpu.memory_space<hbm>> -> memref<80x128xi32, #tpu.memory_space<hbm>>
      tpu.wait_dma2 semaphore(%run_scoped3A : memref<!tpu.dma_semaphore, #tpu.memory_space<semaphore_mem>>) src(%dma_wait3A_43 : memref<80x128xi32, #tpu.memory_space<hbm>>) dst(%arg8 : memref<80x128xi32, #tpu.memory_space<vmem>>)
      tpu.yield
    }) : () -> ()
    "tpu.region"() ({
      %run_scoped3A = tpu.sem_alloc : memref<!tpu.dma_semaphore, #tpu.memory_space<semaphore_mem>>
      tpu.enqueue_dma source(%arg5 : memref<128x64xf32, #tpu.memory_space<hbm>>) target(%arg9 : memref<128x64xf32, #tpu.memory_space<vmem>>) target_semaphore(%run_scoped3A : memref<!tpu.dma_semaphore, #tpu.memory_space<semaphore_mem>>)
      tpu.wait_dma2 semaphore(%run_scoped3A : memref<!tpu.dma_semaphore, #tpu.memory_space<semaphore_mem>>) src(%arg5 : memref<128x64xf32, #tpu.memory_space<hbm>>) dst(%arg9 : memref<128x64xf32, #tpu.memory_space<vmem>>)
      tpu.yield
    }) : () -> ()
    %mul3A_1 = arith.constant 640 : i32
    %mul3A_2 = arith.muli %arg1, %mul3A_1 : i32
    %add3A_3 = arith.constant 0 : i32
    %add3A_4 = arith.addi %mul3A_2, %add3A_3 : i32
    "tpu.region"() ({
      %run_scoped3A = tpu.sem_alloc : memref<!tpu.dma_semaphore, #tpu.memory_space<semaphore_mem>>
      %dma_start3A = arith.constant 0 : i32
      %dma_start3A_30 = tpu.memref_slice %arg10[%add3A_4, %dma_start3A] : memref<10240x64xf32, #tpu.memory_space<vmem_shared>> -> memref<128x64xf32, #tpu.memory_space<vmem_shared>>
      %dma_start3A_31 = arith.constant 0 : i32
      %dma_start3A_32 = tpu.memref_slice %arg10[%add3A_4, %dma_start3A_31] : memref<10240x64xf32, #tpu.memory_space<vmem_shared>> -> memref<128x64xf32, #tpu.memory_space<vmem_shared>>
      tpu.enqueue_dma source(%arg9 : memref<128x64xf32, #tpu.memory_space<vmem>>) target(%dma_start3A_32 : memref<128x64xf32, #tpu.memory_space<vmem_shared>>) target_semaphore(%run_scoped3A : memref<!tpu.dma_semaphore, #tpu.memory_space<semaphore_mem>>)
      %dma_wait3A = arith.constant 0 : i32
      %dma_wait3A_33 = tpu.memref_slice %arg10[%add3A_4, %dma_wait3A] : memref<10240x64xf32, #tpu.memory_space<vmem_shared>> -> memref<128x64xf32, #tpu.memory_space<vmem_shared>>
      %dma_wait3A_34 = arith.constant 0 : i32
      %dma_wait3A_35 = tpu.memref_slice %arg10[%add3A_4, %dma_wait3A_34] : memref<10240x64xf32, #tpu.memory_space<vmem_shared>> -> memref<128x64xf32, #tpu.memory_space<vmem_shared>>
      tpu.wait_dma2 semaphore(%run_scoped3A : memref<!tpu.dma_semaphore, #tpu.memory_space<semaphore_mem>>) src(%arg9 : memref<128x64xf32, #tpu.memory_space<vmem>>) dst(%dma_wait3A_35 : memref<128x64xf32, #tpu.memory_space<vmem_shared>>)
      tpu.yield
    }) : () -> ()
    %mul3A_5 = arith.constant 640 : i32
    %mul3A_6 = arith.muli %arg1, %mul3A_5 : i32
    %add3A_7 = arith.constant 128 : i32
    %add3A_8 = arith.addi %mul3A_6, %add3A_7 : i32
    "tpu.region"() ({
      %run_scoped3A = tpu.sem_alloc : memref<!tpu.dma_semaphore, #tpu.memory_space<semaphore_mem>>
      %dma_start3A = arith.constant 0 : i32
      %dma_start3A_30 = tpu.memref_slice %arg10[%add3A_8, %dma_start3A] : memref<10240x64xf32, #tpu.memory_space<vmem_shared>> -> memref<128x64xf32, #tpu.memory_space<vmem_shared>>
      %dma_start3A_31 = arith.constant 0 : i32
      %dma_start3A_32 = tpu.memref_slice %arg10[%add3A_8, %dma_start3A_31] : memref<10240x64xf32, #tpu.memory_space<vmem_shared>> -> memref<128x64xf32, #tpu.memory_space<vmem_shared>>
      tpu.enqueue_dma source(%arg9 : memref<128x64xf32, #tpu.memory_space<vmem>>) target(%dma_start3A_32 : memref<128x64xf32, #tpu.memory_space<vmem_shared>>) target_semaphore(%run_scoped3A : memref<!tpu.dma_semaphore, #tpu.memory_space<semaphore_mem>>)
      %dma_wait3A = arith.constant 0 : i32
      %dma_wait3A_33 = tpu.memref_slice %arg10[%add3A_8, %dma_wait3A] : memref<10240x64xf32, #tpu.memory_space<vmem_shared>> -> memref<128x64xf32, #tpu.memory_space<vmem_shared>>
      %dma_wait3A_34 = arith.constant 0 : i32
      %dma_wait3A_35 = tpu.memref_slice %arg10[%add3A_8, %dma_wait3A_34] : memref<10240x64xf32, #tpu.memory_space<vmem_shared>> -> memref<128x64xf32, #tpu.memory_space<vmem_shared>>
      tpu.wait_dma2 semaphore(%run_scoped3A : memref<!tpu.dma_semaphore, #tpu.memory_space<semaphore_mem>>) src(%arg9 : memref<128x64xf32, #tpu.memory_space<vmem>>) dst(%dma_wait3A_35 : memref<128x64xf32, #tpu.memory_space<vmem_shared>>)
      tpu.yield
    }) : () -> ()
    %mul3A_9 = arith.constant 640 : i32
    %mul3A_10 = arith.muli %arg1, %mul3A_9 : i32
    %add3A_11 = arith.constant 256 : i32
    %add3A_12 = arith.addi %mul3A_10, %add3A_11 : i32
    "tpu.region"() ({
      %run_scoped3A = tpu.sem_alloc : memref<!tpu.dma_semaphore, #tpu.memory_space<semaphore_mem>>
      %dma_start3A = arith.constant 0 : i32
      %dma_start3A_30 = tpu.memref_slice %arg10[%add3A_12, %dma_start3A] : memref<10240x64xf32, #tpu.memory_space<vmem_shared>> -> memref<128x64xf32, #tpu.memory_space<vmem_shared>>
      %dma_start3A_31 = arith.constant 0 : i32
      %dma_start3A_32 = tpu.memref_slice %arg10[%add3A_12, %dma_start3A_31] : memref<10240x64xf32, #tpu.memory_space<vmem_shared>> -> memref<128x64xf32, #tpu.memory_space<vmem_shared>>
      tpu.enqueue_dma source(%arg9 : memref<128x64xf32, #tpu.memory_space<vmem>>) target(%dma_start3A_32 : memref<128x64xf32, #tpu.memory_space<vmem_shared>>) target_semaphore(%run_scoped3A : memref<!tpu.dma_semaphore, #tpu.memory_space<semaphore_mem>>)
      %dma_wait3A = arith.constant 0 : i32
      %dma_wait3A_33 = tpu.memref_slice %arg10[%add3A_12, %dma_wait3A] : memref<10240x64xf32, #tpu.memory_space<vmem_shared>> -> memref<128x64xf32, #tpu.memory_space<vmem_shared>>
      %dma_wait3A_34 = arith.constant 0 : i32
      %dma_wait3A_35 = tpu.memref_slice %arg10[%add3A_12, %dma_wait3A_34] : memref<10240x64xf32, #tpu.memory_space<vmem_shared>> -> memref<128x64xf32, #tpu.memory_space<vmem_shared>>
      tpu.wait_dma2 semaphore(%run_scoped3A : memref<!tpu.dma_semaphore, #tpu.memory_space<semaphore_mem>>) src(%arg9 : memref<128x64xf32, #tpu.memory_space<vmem>>) dst(%dma_wait3A_35 : memref<128x64xf32, #tpu.memory_space<vmem_shared>>)
      tpu.yield
    }) : () -> ()
    %mul3A_13 = arith.constant 640 : i32
    %mul3A_14 = arith.muli %arg1, %mul3A_13 : i32
    %add3A_15 = arith.constant 384 : i32
    %add3A_16 = arith.addi %mul3A_14, %add3A_15 : i32
    "tpu.region"() ({
      %run_scoped3A = tpu.sem_alloc : memref<!tpu.dma_semaphore, #tpu.memory_space<semaphore_mem>>
      %dma_start3A = arith.constant 0 : i32
      %dma_start3A_30 = tpu.memref_slice %arg10[%add3A_16, %dma_start3A] : memref<10240x64xf32, #tpu.memory_space<vmem_shared>> -> memref<128x64xf32, #tpu.memory_space<vmem_shared>>
      %dma_start3A_31 = arith.constant 0 : i32
      %dma_start3A_32 = tpu.memref_slice %arg10[%add3A_16, %dma_start3A_31] : memref<10240x64xf32, #tpu.memory_space<vmem_shared>> -> memref<128x64xf32, #tpu.memory_space<vmem_shared>>
      tpu.enqueue_dma source(%arg9 : memref<128x64xf32, #tpu.memory_space<vmem>>) target(%dma_start3A_32 : memref<128x64xf32, #tpu.memory_space<vmem_shared>>) target_semaphore(%run_scoped3A : memref<!tpu.dma_semaphore, #tpu.memory_space<semaphore_mem>>)
      %dma_wait3A = arith.constant 0 : i32
      %dma_wait3A_33 = tpu.memref_slice %arg10[%add3A_16, %dma_wait3A] : memref<10240x64xf32, #tpu.memory_space<vmem_shared>> -> memref<128x64xf32, #tpu.memory_space<vmem_shared>>
      %dma_wait3A_34 = arith.constant 0 : i32
      %dma_wait3A_35 = tpu.memref_slice %arg10[%add3A_16, %dma_wait3A_34] : memref<10240x64xf32, #tpu.memory_space<vmem_shared>> -> memref<128x64xf32, #tpu.memory_space<vmem_shared>>
      tpu.wait_dma2 semaphore(%run_scoped3A : memref<!tpu.dma_semaphore, #tpu.memory_space<semaphore_mem>>) src(%arg9 : memref<128x64xf32, #tpu.memory_space<vmem>>) dst(%dma_wait3A_35 : memref<128x64xf32, #tpu.memory_space<vmem_shared>>)
      tpu.yield
    }) : () -> ()
    %mul3A_17 = arith.constant 640 : i32
    %mul3A_18 = arith.muli %arg1, %mul3A_17 : i32
    %add3A_19 = arith.constant 512 : i32
    %add3A_20 = arith.addi %mul3A_18, %add3A_19 : i32
    "tpu.region"() ({
      %run_scoped3A = tpu.sem_alloc : memref<!tpu.dma_semaphore, #tpu.memory_space<semaphore_mem>>
      %dma_start3A = arith.constant 0 : i32
      %dma_start3A_30 = tpu.memref_slice %arg10[%add3A_20, %dma_start3A] : memref<10240x64xf32, #tpu.memory_space<vmem_shared>> -> memref<128x64xf32, #tpu.memory_space<vmem_shared>>
      %dma_start3A_31 = arith.constant 0 : i32
      %dma_start3A_32 = tpu.memref_slice %arg10[%add3A_20, %dma_start3A_31] : memref<10240x64xf32, #tpu.memory_space<vmem_shared>> -> memref<128x64xf32, #tpu.memory_space<vmem_shared>>
      tpu.enqueue_dma source(%arg9 : memref<128x64xf32, #tpu.memory_space<vmem>>) target(%dma_start3A_32 : memref<128x64xf32, #tpu.memory_space<vmem_shared>>) target_semaphore(%run_scoped3A : memref<!tpu.dma_semaphore, #tpu.memory_space<semaphore_mem>>)
      %dma_wait3A = arith.constant 0 : i32
      %dma_wait3A_33 = tpu.memref_slice %arg10[%add3A_20, %dma_wait3A] : memref<10240x64xf32, #tpu.memory_space<vmem_shared>> -> memref<128x64xf32, #tpu.memory_space<vmem_shared>>
      %dma_wait3A_34 = arith.constant 0 : i32
      %dma_wait3A_35 = tpu.memref_slice %arg10[%add3A_20, %dma_wait3A_34] : memref<10240x64xf32, #tpu.memory_space<vmem_shared>> -> memref<128x64xf32, #tpu.memory_space<vmem_shared>>
      tpu.wait_dma2 semaphore(%run_scoped3A : memref<!tpu.dma_semaphore, #tpu.memory_space<semaphore_mem>>) src(%arg9 : memref<128x64xf32, #tpu.memory_space<vmem>>) dst(%dma_wait3A_35 : memref<128x64xf32, #tpu.memory_space<vmem_shared>>)
      tpu.yield
    }) : () -> ()
    %barrier3A = arith.constant 0 : index
    tpu.barrier barrier_id(%barrier3A)
    %scan3A = arith.constant 0 : i32
    %scan3A_21 = arith.constant 80 : i32
    %scan3A_22 = arith.addi %scan3A, %scan3A_21 : i32
    %scan3A_23 = arith.constant 1 : i32
    scf.for %scan3A_30 = %scan3A to %scan3A_22 step %scan3A_23  : i32 {
      %mul3A_31 = arith.constant 1 : i32
      %mul3A_32 = arith.muli %scan3A_30, %mul3A_31 : i32
      %add3A_33 = arith.constant 0 : i32
      %add3A_34 = arith.addi %add3A_33, %mul3A_32 : i32
      %dma_start3A = arith.constant 0 : i32
      %dma_start3A_35 = tpu.memref_slice %arg7[%add3A_34, %dma_start3A] : memref<80x128xi32, #tpu.memory_space<vmem>> -> memref<1x128xi32, #tpu.memory_space<vmem>>
      %dma_start3A_36 = tpu.memref_squeeze %dma_start3A_35 : memref<1x128xi32, #tpu.memory_space<vmem>> -> memref<128xi32, #tpu.memory_space<vmem>>
      %dma_start3A_37 = arith.constant 0 : i32
      %dma_start3A_38 = arith.constant 0 : i32
      %dma_start3A_39 = tpu.memref_slice %arg2[%dma_start3A_37, %dma_start3A_38] : memref<10000x64xf32, #tpu.memory_space<hbm>> -> memref<10000x64xf32, #tpu.memory_space<hbm>>
      tpu.enqueue_indirect_dma source(%dma_start3A_39 : memref<10000x64xf32, #tpu.memory_space<hbm>>) target(%arg9 : memref<128x64xf32, #tpu.memory_space<vmem>>) offsets(%dma_start3A_36 : memref<128xi32, #tpu.memory_space<vmem>>) semaphore(%arg11 : memref<!tpu.dma_semaphore, #tpu.memory_space<semaphore_mem>>)
      %dma_wait3A = arith.constant 0 : i32
      %dma_wait3A_40 = tpu.memref_slice %arg7[%add3A_34, %dma_wait3A] : memref<80x128xi32, #tpu.memory_space<vmem>> -> memref<1x128xi32, #tpu.memory_space<vmem>>
      %dma_wait3A_41 = tpu.memref_squeeze %dma_wait3A_40 : memref<1x128xi32, #tpu.memory_space<vmem>> -> memref<128xi32, #tpu.memory_space<vmem>>
      %dma_wait3A_42 = arith.constant 0 : i32
      %dma_wait3A_43 = arith.constant 0 : i32
      %dma_wait3A_44 = tpu.memref_slice %arg2[%dma_wait3A_42, %dma_wait3A_43] : memref<10000x64xf32, #tpu.memory_space<hbm>> -> memref<10000x64xf32, #tpu.memory_space<hbm>>
      tpu.wait_indirect_dma semaphore(%arg11 : memref<!tpu.dma_semaphore, #tpu.memory_space<semaphore_mem>>) src(%dma_wait3A_44 : memref<10000x64xf32, #tpu.memory_space<hbm>>) dst(%arg9 : memref<128x64xf32, #tpu.memory_space<vmem>>)
      "tpu.region"() ({
        %run_scoped3A = tpu.sem_alloc : memref<!tpu.dma_semaphore, #tpu.memory_space<semaphore_mem>>
        %dma_start3A_45 = arith.constant 0 : i32
        %dma_start3A_46 = tpu.memref_slice %arg8[%add3A_34, %dma_start3A_45] : memref<80x128xi32, #tpu.memory_space<vmem>> -> memref<1x128xi32, #tpu.memory_space<vmem>>
        %dma_start3A_47 = tpu.memref_squeeze %dma_start3A_46 : memref<1x128xi32, #tpu.memory_space<vmem>> -> memref<128xi32, #tpu.memory_space<vmem>>
        %dma_start3A_48 = arith.constant 0 : i32
        %dma_start3A_49 = arith.constant 0 : i32
        %dma_start3A_50 = tpu.memref_slice %arg10[%dma_start3A_48, %dma_start3A_49] : memref<10240x64xf32, #tpu.memory_space<vmem_shared>> -> memref<10240x64xf32, #tpu.memory_space<vmem_shared>>
        tpu.enqueue_indirect_dma source(%arg9 : memref<128x64xf32, #tpu.memory_space<vmem>>) target(%dma_start3A_50 : memref<10240x64xf32, #tpu.memory_space<vmem_shared>>) offsets(%dma_start3A_47 : memref<128xi32, #tpu.memory_space<vmem>>) semaphore(%run_scoped3A : memref<!tpu.dma_semaphore, #tpu.memory_space<semaphore_mem>>) {add = true}
        %dma_wait3A_51 = arith.constant 0 : i32
        %dma_wait3A_52 = tpu.memref_slice %arg8[%add3A_34, %dma_wait3A_51] : memref<80x128xi32, #tpu.memory_space<vmem>> -> memref<1x128xi32, #tpu.memory_space<vmem>>
        %dma_wait3A_53 = tpu.memref_squeeze %dma_wait3A_52 : memref<1x128xi32, #tpu.memory_space<vmem>> -> memref<128xi32, #tpu.memory_space<vmem>>
        %dma_wait3A_54 = arith.constant 0 : i32
        %dma_wait3A_55 = arith.constant 0 : i32
        %dma_wait3A_56 = tpu.memref_slice %arg10[%dma_wait3A_54, %dma_wait3A_55] : memref<10240x64xf32, #tpu.memory_space<vmem_shared>> -> memref<10240x64xf32, #tpu.memory_space<vmem_shared>>
        tpu.wait_indirect_dma semaphore(%run_scoped3A : memref<!tpu.dma_semaphore, #tpu.memory_space<semaphore_mem>>) src(%arg9 : memref<128x64xf32, #tpu.memory_space<vmem>>) dst(%dma_wait3A_56 : memref<10240x64xf32, #tpu.memory_space<vmem_shared>>)
        tpu.yield
      }) : () -> ()
    }
    %scan3A_24 = arith.constant 80 : i32
    %barrier3A_25 = arith.constant 0 : index
    tpu.barrier barrier_id(%barrier3A_25)
    %mul3A_26 = arith.constant 640 : i32
    %mul3A_27 = arith.muli %arg1, %mul3A_26 : i32
    %mul3A_28 = arith.constant 640 : i32
    %mul3A_29 = arith.muli %arg1, %mul3A_28 : i32
    "tpu.region"() ({
      %run_scoped3A = tpu.sem_alloc : memref<!tpu.dma_semaphore, #tpu.memory_space<semaphore_mem>>
      %dma_start3A = arith.constant 0 : i32
      %dma_start3A_30 = tpu.memref_slice %arg6[%arg0, %mul3A_29, %dma_start3A] : memref<2x10240x64xf32, #tpu.memory_space<hbm>> -> memref<1x640x64xf32, #tpu.memory_space<hbm>>
      %dma_start3A_31 = tpu.memref_squeeze %dma_start3A_30 : memref<1x640x64xf32, #tpu.memory_space<hbm>> -> memref<640x64xf32, #tpu.memory_space<hbm>>
      %dma_start3A_32 = arith.constant 0 : i32
      %dma_start3A_33 = tpu.memref_slice %arg10[%mul3A_27, %dma_start3A_32] : memref<10240x64xf32, #tpu.memory_space<vmem_shared>> -> memref<640x64xf32, #tpu.memory_space<vmem_shared>>
      tpu.enqueue_dma source(%dma_start3A_33 : memref<640x64xf32, #tpu.memory_space<vmem_shared>>) target(%dma_start3A_31 : memref<640x64xf32, #tpu.memory_space<hbm>>) target_semaphore(%run_scoped3A : memref<!tpu.dma_semaphore, #tpu.memory_space<semaphore_mem>>)
      %dma_wait3A = arith.constant 0 : i32
      %dma_wait3A_34 = tpu.memref_slice %arg6[%arg0, %mul3A_29, %dma_wait3A] : memref<2x10240x64xf32, #tpu.memory_space<hbm>> -> memref<1x640x64xf32, #tpu.memory_space<hbm>>
      %dma_wait3A_35 = tpu.memref_squeeze %dma_wait3A_34 : memref<1x640x64xf32, #tpu.memory_space<hbm>> -> memref<640x64xf32, #tpu.memory_space<hbm>>
      %dma_wait3A_36 = arith.constant 0 : i32
      %dma_wait3A_37 = tpu.memref_slice %arg10[%mul3A_27, %dma_wait3A_36] : memref<10240x64xf32, #tpu.memory_space<vmem_shared>> -> memref<640x64xf32, #tpu.memory_space<vmem_shared>>
      tpu.wait_dma2 semaphore(%run_scoped3A : memref<!tpu.dma_semaphore, #tpu.memory_space<semaphore_mem>>) src(%dma_wait3A_37 : memref<640x64xf32, #tpu.memory_space<vmem_shared>>) dst(%dma_wait3A_35 : memref<640x64xf32, #tpu.memory_space<hbm>>)
      tpu.yield
    }) : () -> ()
    return
  }
}

#map = affine_map<(d0, d1) -> (0, 0)>
#map1 = affine_map<(d0, d1) -> (0, 0, 0)>
module attributes {stable_mosaic.version = 14 : i64} {
  func.func @sc_scatter(%arg0: i32, %arg1: i32, %arg2: memref<10000x64xf32, #tpu.memory_space<hbm>>, %arg3: memref<32x80x128xi32, #tpu.memory_space<hbm>>, %arg4: memref<32x80x128xi32, #tpu.memory_space<hbm>>, %arg5: memref<128x64xf32, #tpu.memory_space<hbm>>, %arg6: memref<2x10240x64xf32, #tpu.memory_space<hbm>>, %arg7: memref<80x128xi32, #tpu.memory_space<vmem>>, %arg8: memref<80x128xi32, #tpu.memory_space<vmem>>, %arg9: memref<128x64xf32, #tpu.memory_space<vmem>>, %arg10: memref<10240x64xf32, #tpu.memory_space<vmem_shared>>, %arg11: memref<!tpu.dma_semaphore, #tpu.memory_space<semaphore_mem>>) attributes {dimension_semantics = [#tpu.dimension_semantics<core_parallel>, #tpu.dimension_semantics<subcore_parallel>], iteration_bounds = array<i64: 2, 16>, scalar_prefetch = 0 : i64, scratch_operands = 5 : i64, tpu.core_type = #tpu.core_type<sc_vector_subcore>, window_params = [{transform_indices = #map}, {transform_indices = #map1}, {transform_indices = #map1}, {transform_indices = #map}, {transform_indices = #map1}]} {
    %mul3A = arith.constant 16 : i32
    %mul3A_0 = arith.muli %arg0, %mul3A : i32
    %add3A = arith.addi %mul3A_0, %arg1 : i32
    "tpu.region"() ({
      %run_scoped3A = tpu.sem_alloc : memref<!tpu.dma_semaphore, #tpu.memory_space<semaphore_mem>>
      %dma_start3A = arith.constant 0 : i32
      %dma_start3A_30 = arith.constant 0 : i32
      %dma_start3A_31 = tpu.memref_slice %arg3[%add3A, %dma_start3A, %dma_start3A_30] : memref<32x80x128xi32, #tpu.memory_space<hbm>> -> memref<1x80x128xi32, #tpu.memory_space<hbm>>
      %dma_start3A_32 = tpu.memref_squeeze %dma_start3A_31 : memref<1x80x128xi32, #tpu.memory_space<hbm>> -> memref<80x128xi32, #tpu.memory_space<hbm>>
      %dma_start3A_33 = arith.constant 0 : i32
      %dma_start3A_34 = arith.constant 0 : i32
      %dma_start3A_35 = tpu.memref_slice %arg3[%add3A, %dma_start3A_33, %dma_start3A_34] : memref<32x80x128xi32, #tpu.memory_space<hbm>> -> memref<1x80x128xi32, #tpu.memory_space<hbm>>
      %dma_start3A_36 = tpu.memref_squeeze %dma_start3A_35 : memref<1x80x128xi32, #tpu.memory_space<hbm>> -> memref<80x128xi32, #tpu.memory_space<hbm>>
      tpu.enqueue_dma source(%dma_start3A_36 : memref<80x128xi32, #tpu.memory_space<hbm>>) target(%arg7 : memref<80x128xi32, #tpu.memory_space<vmem>>) target_semaphore(%run_scoped3A : memref<!tpu.dma_semaphore, #tpu.memory_space<semaphore_mem>>)
      %dma_wait3A = arith.constant 0 : i32
      %dma_wait3A_37 = arith.constant 0 : i32
      %dma_wait3A_38 = tpu.memref_slice %arg3[%add3A, %dma_wait3A, %dma_wait3A_37] : memref<32x80x128xi32, #tpu.memory_space<hbm>> -> memref<1x80x128xi32, #tpu.memory_space<hbm>>
      %dma_wait3A_39 = tpu.memref_squeeze %dma_wait3A_38 : memref<1x80x128xi32, #tpu.memory_space<hbm>> -> memref<80x128xi32, #tpu.memory_space<hbm>>
      %dma_wait3A_40 = arith.constant 0 : i32
      %dma_wait3A_41 = arith.constant 0 : i32
      %dma_wait3A_42 = tpu.memref_slice %arg3[%add3A, %dma_wait3A_40, %dma_wait3A_41] : memref<32x80x128xi32, #tpu.memory_space<hbm>> -> memref<1x80x128xi32, #tpu.memory_space<hbm>>
      %dma_wait3A_43 = tpu.memref_squeeze %dma_wait3A_42 : memref<1x80x128xi32, #tpu.memory_space<hbm>> -> memref<80x128xi32, #tpu.memory_space<hbm>>
      tpu.wait_dma2 semaphore(%run_scoped3A : memref<!tpu.dma_semaphore, #tpu.memory_space<semaphore_mem>>) src(%dma_wait3A_43 : memref<80x128xi32, #tpu.memory_space<hbm>>) dst(%arg7 : memref<80x128xi32, #tpu.memory_space<vmem>>)
      tpu.yield
    }) : () -> ()
    "tpu.region"() ({
      %run_scoped3A = tpu.sem_alloc : memref<!tpu.dma_semaphore, #tpu.memory_space<semaphore_mem>>
      %dma_start3A = arith.constant 0 : i32
      %dma_start3A_30 = arith.constant 0 : i32
      %dma_start3A_31 = tpu.memref_slice %arg4[%add3A, %dma_start3A, %dma_start3A_30] : memref<32x80x128xi32, #tpu.memory_space<hbm>> -> memref<1x80x128xi32, #tpu.memory_space<hbm>>
      %dma_start3A_32 = tpu.memref_squeeze %dma_start3A_31 : memref<1x80x128xi32, #tpu.memory_space<hbm>> -> memref<80x128xi32, #tpu.memory_space<hbm>>
      %dma_start3A_33 = arith.constant 0 : i32
      %dma_start3A_34 = arith.constant 0 : i32
      %dma_start3A_35 = tpu.memref_slice %arg4[%add3A, %dma_start3A_33, %dma_start3A_34] : memref<32x80x128xi32, #tpu.memory_space<hbm>> -> memref<1x80x128xi32, #tpu.memory_space<hbm>>
      %dma_start3A_36 = tpu.memref_squeeze %dma_start3A_35 : memref<1x80x128xi32, #tpu.memory_space<hbm>> -> memref<80x128xi32, #tpu.memory_space<hbm>>
      tpu.enqueue_dma source(%dma_start3A_36 : memref<80x128xi32, #tpu.memory_space<hbm>>) target(%arg8 : memref<80x128xi32, #tpu.memory_space<vmem>>) target_semaphore(%run_scoped3A : memref<!tpu.dma_semaphore, #tpu.memory_space<semaphore_mem>>)
      %dma_wait3A = arith.constant 0 : i32
      %dma_wait3A_37 = arith.constant 0 : i32
      %dma_wait3A_38 = tpu.memref_slice %arg4[%add3A, %dma_wait3A, %dma_wait3A_37] : memref<32x80x128xi32, #tpu.memory_space<hbm>> -> memref<1x80x128xi32, #tpu.memory_space<hbm>>
      %dma_wait3A_39 = tpu.memref_squeeze %dma_wait3A_38 : memref<1x80x128xi32, #tpu.memory_space<hbm>> -> memref<80x128xi32, #tpu.memory_space<hbm>>
      %dma_wait3A_40 = arith.constant 0 : i32
      %dma_wait3A_41 = arith.constant 0 : i32
      %dma_wait3A_42 = tpu.memref_slice %arg4[%add3A, %dma_wait3A_40, %dma_wait3A_41] : memref<32x80x128xi32, #tpu.memory_space<hbm>> -> memref<1x80x128xi32, #tpu.memory_space<hbm>>
      %dma_wait3A_43 = tpu.memref_squeeze %dma_wait3A_42 : memref<1x80x128xi32, #tpu.memory_space<hbm>> -> memref<80x128xi32, #tpu.memory_space<hbm>>
      tpu.wait_dma2 semaphore(%run_scoped3A : memref<!tpu.dma_semaphore, #tpu.memory_space<semaphore_mem>>) src(%dma_wait3A_43 : memref<80x128xi32, #tpu.memory_space<hbm>>) dst(%arg8 : memref<80x128xi32, #tpu.memory_space<vmem>>)
      tpu.yield
    }) : () -> ()
    "tpu.region"() ({
      %run_scoped3A = tpu.sem_alloc : memref<!tpu.dma_semaphore, #tpu.memory_space<semaphore_mem>>
      tpu.enqueue_dma source(%arg5 : memref<128x64xf32, #tpu.memory_space<hbm>>) target(%arg9 : memref<128x64xf32, #tpu.memory_space<vmem>>) target_semaphore(%run_scoped3A : memref<!tpu.dma_semaphore, #tpu.memory_space<semaphore_mem>>)
      tpu.wait_dma2 semaphore(%run_scoped3A : memref<!tpu.dma_semaphore, #tpu.memory_space<semaphore_mem>>) src(%arg5 : memref<128x64xf32, #tpu.memory_space<hbm>>) dst(%arg9 : memref<128x64xf32, #tpu.memory_space<vmem>>)
      tpu.yield
    }) : () -> ()
    %mul3A_1 = arith.constant 640 : i32
    %mul3A_2 = arith.muli %arg1, %mul3A_1 : i32
    %add3A_3 = arith.constant 0 : i32
    %add3A_4 = arith.addi %mul3A_2, %add3A_3 : i32
    "tpu.region"() ({
      %run_scoped3A = tpu.sem_alloc : memref<!tpu.dma_semaphore, #tpu.memory_space<semaphore_mem>>
      %dma_start3A = arith.constant 0 : i32
      %dma_start3A_30 = tpu.memref_slice %arg10[%add3A_4, %dma_start3A] : memref<10240x64xf32, #tpu.memory_space<vmem_shared>> -> memref<128x64xf32, #tpu.memory_space<vmem_shared>>
      %dma_start3A_31 = arith.constant 0 : i32
      %dma_start3A_32 = tpu.memref_slice %arg10[%add3A_4, %dma_start3A_31] : memref<10240x64xf32, #tpu.memory_space<vmem_shared>> -> memref<128x64xf32, #tpu.memory_space<vmem_shared>>
      tpu.enqueue_dma source(%arg9 : memref<128x64xf32, #tpu.memory_space<vmem>>) target(%dma_start3A_32 : memref<128x64xf32, #tpu.memory_space<vmem_shared>>) target_semaphore(%run_scoped3A : memref<!tpu.dma_semaphore, #tpu.memory_space<semaphore_mem>>)
      %dma_wait3A = arith.constant 0 : i32
      %dma_wait3A_33 = tpu.memref_slice %arg10[%add3A_4, %dma_wait3A] : memref<10240x64xf32, #tpu.memory_space<vmem_shared>> -> memref<128x64xf32, #tpu.memory_space<vmem_shared>>
      %dma_wait3A_34 = arith.constant 0 : i32
      %dma_wait3A_35 = tpu.memref_slice %arg10[%add3A_4, %dma_wait3A_34] : memref<10240x64xf32, #tpu.memory_space<vmem_shared>> -> memref<128x64xf32, #tpu.memory_space<vmem_shared>>
      tpu.wait_dma2 semaphore(%run_scoped3A : memref<!tpu.dma_semaphore, #tpu.memory_space<semaphore_mem>>) src(%arg9 : memref<128x64xf32, #tpu.memory_space<vmem>>) dst(%dma_wait3A_35 : memref<128x64xf32, #tpu.memory_space<vmem_shared>>)
      tpu.yield
    }) : () -> ()
    %mul3A_5 = arith.constant 640 : i32
    %mul3A_6 = arith.muli %arg1, %mul3A_5 : i32
    %add3A_7 = arith.constant 128 : i32
    %add3A_8 = arith.addi %mul3A_6, %add3A_7 : i32
    "tpu.region"() ({
      %run_scoped3A = tpu.sem_alloc : memref<!tpu.dma_semaphore, #tpu.memory_space<semaphore_mem>>
      %dma_start3A = arith.constant 0 : i32
      %dma_start3A_30 = tpu.memref_slice %arg10[%add3A_8, %dma_start3A] : memref<10240x64xf32, #tpu.memory_space<vmem_shared>> -> memref<128x64xf32, #tpu.memory_space<vmem_shared>>
      %dma_start3A_31 = arith.constant 0 : i32
      %dma_start3A_32 = tpu.memref_slice %arg10[%add3A_8, %dma_start3A_31] : memref<10240x64xf32, #tpu.memory_space<vmem_shared>> -> memref<128x64xf32, #tpu.memory_space<vmem_shared>>
      tpu.enqueue_dma source(%arg9 : memref<128x64xf32, #tpu.memory_space<vmem>>) target(%dma_start3A_32 : memref<128x64xf32, #tpu.memory_space<vmem_shared>>) target_semaphore(%run_scoped3A : memref<!tpu.dma_semaphore, #tpu.memory_space<semaphore_mem>>)
      %dma_wait3A = arith.constant 0 : i32
      %dma_wait3A_33 = tpu.memref_slice %arg10[%add3A_8, %dma_wait3A] : memref<10240x64xf32, #tpu.memory_space<vmem_shared>> -> memref<128x64xf32, #tpu.memory_space<vmem_shared>>
      %dma_wait3A_34 = arith.constant 0 : i32
      %dma_wait3A_35 = tpu.memref_slice %arg10[%add3A_8, %dma_wait3A_34] : memref<10240x64xf32, #tpu.memory_space<vmem_shared>> -> memref<128x64xf32, #tpu.memory_space<vmem_shared>>
      tpu.wait_dma2 semaphore(%run_scoped3A : memref<!tpu.dma_semaphore, #tpu.memory_space<semaphore_mem>>) src(%arg9 : memref<128x64xf32, #tpu.memory_space<vmem>>) dst(%dma_wait3A_35 : memref<128x64xf32, #tpu.memory_space<vmem_shared>>)
      tpu.yield
    }) : () -> ()
    %mul3A_9 = arith.constant 640 : i32
    %mul3A_10 = arith.muli %arg1, %mul3A_9 : i32
    %add3A_11 = arith.constant 256 : i32
    %add3A_12 = arith.addi %mul3A_10, %add3A_11 : i32
    "tpu.region"() ({
      %run_scoped3A = tpu.sem_alloc : memref<!tpu.dma_semaphore, #tpu.memory_space<semaphore_mem>>
      %dma_start3A = arith.constant 0 : i32
      %dma_start3A_30 = tpu.memref_slice %arg10[%add3A_12, %dma_start3A] : memref<10240x64xf32, #tpu.memory_space<vmem_shared>> -> memref<128x64xf32, #tpu.memory_space<vmem_shared>>
      %dma_start3A_31 = arith.constant 0 : i32
      %dma_start3A_32 = tpu.memref_slice %arg10[%add3A_12, %dma_start3A_31] : memref<10240x64xf32, #tpu.memory_space<vmem_shared>> -> memref<128x64xf32, #tpu.memory_space<vmem_shared>>
      tpu.enqueue_dma source(%arg9 : memref<128x64xf32, #tpu.memory_space<vmem>>) target(%dma_start3A_32 : memref<128x64xf32, #tpu.memory_space<vmem_shared>>) target_semaphore(%run_scoped3A : memref<!tpu.dma_semaphore, #tpu.memory_space<semaphore_mem>>)
      %dma_wait3A = arith.constant 0 : i32
      %dma_wait3A_33 = tpu.memref_slice %arg10[%add3A_12, %dma_wait3A] : memref<10240x64xf32, #tpu.memory_space<vmem_shared>> -> memref<128x64xf32, #tpu.memory_space<vmem_shared>>
      %dma_wait3A_34 = arith.constant 0 : i32
      %dma_wait3A_35 = tpu.memref_slice %arg10[%add3A_12, %dma_wait3A_34] : memref<10240x64xf32, #tpu.memory_space<vmem_shared>> -> memref<128x64xf32, #tpu.memory_space<vmem_shared>>
      tpu.wait_dma2 semaphore(%run_scoped3A : memref<!tpu.dma_semaphore, #tpu.memory_space<semaphore_mem>>) src(%arg9 : memref<128x64xf32, #tpu.memory_space<vmem>>) dst(%dma_wait3A_35 : memref<128x64xf32, #tpu.memory_space<vmem_shared>>)
      tpu.yield
    }) : () -> ()
    %mul3A_13 = arith.constant 640 : i32
    %mul3A_14 = arith.muli %arg1, %mul3A_13 : i32
    %add3A_15 = arith.constant 384 : i32
    %add3A_16 = arith.addi %mul3A_14, %add3A_15 : i32
    "tpu.region"() ({
      %run_scoped3A = tpu.sem_alloc : memref<!tpu.dma_semaphore, #tpu.memory_space<semaphore_mem>>
      %dma_start3A = arith.constant 0 : i32
      %dma_start3A_30 = tpu.memref_slice %arg10[%add3A_16, %dma_start3A] : memref<10240x64xf32, #tpu.memory_space<vmem_shared>> -> memref<128x64xf32, #tpu.memory_space<vmem_shared>>
      %dma_start3A_31 = arith.constant 0 : i32
      %dma_start3A_32 = tpu.memref_slice %arg10[%add3A_16, %dma_start3A_31] : memref<10240x64xf32, #tpu.memory_space<vmem_shared>> -> memref<128x64xf32, #tpu.memory_space<vmem_shared>>
      tpu.enqueue_dma source(%arg9 : memref<128x64xf32, #tpu.memory_space<vmem>>) target(%dma_start3A_32 : memref<128x64xf32, #tpu.memory_space<vmem_shared>>) target_semaphore(%run_scoped3A : memref<!tpu.dma_semaphore, #tpu.memory_space<semaphore_mem>>)
      %dma_wait3A = arith.constant 0 : i32
      %dma_wait3A_33 = tpu.memref_slice %arg10[%add3A_16, %dma_wait3A] : memref<10240x64xf32, #tpu.memory_space<vmem_shared>> -> memref<128x64xf32, #tpu.memory_space<vmem_shared>>
      %dma_wait3A_34 = arith.constant 0 : i32
      %dma_wait3A_35 = tpu.memref_slice %arg10[%add3A_16, %dma_wait3A_34] : memref<10240x64xf32, #tpu.memory_space<vmem_shared>> -> memref<128x64xf32, #tpu.memory_space<vmem_shared>>
      tpu.wait_dma2 semaphore(%run_scoped3A : memref<!tpu.dma_semaphore, #tpu.memory_space<semaphore_mem>>) src(%arg9 : memref<128x64xf32, #tpu.memory_space<vmem>>) dst(%dma_wait3A_35 : memref<128x64xf32, #tpu.memory_space<vmem_shared>>)
      tpu.yield
    }) : () -> ()
    %mul3A_17 = arith.constant 640 : i32
    %mul3A_18 = arith.muli %arg1, %mul3A_17 : i32
    %add3A_19 = arith.constant 512 : i32
    %add3A_20 = arith.addi %mul3A_18, %add3A_19 : i32
    "tpu.region"() ({
      %run_scoped3A = tpu.sem_alloc : memref<!tpu.dma_semaphore, #tpu.memory_space<semaphore_mem>>
      %dma_start3A = arith.constant 0 : i32
      %dma_start3A_30 = tpu.memref_slice %arg10[%add3A_20, %dma_start3A] : memref<10240x64xf32, #tpu.memory_space<vmem_shared>> -> memref<128x64xf32, #tpu.memory_space<vmem_shared>>
      %dma_start3A_31 = arith.constant 0 : i32
      %dma_start3A_32 = tpu.memref_slice %arg10[%add3A_20, %dma_start3A_31] : memref<10240x64xf32, #tpu.memory_space<vmem_shared>> -> memref<128x64xf32, #tpu.memory_space<vmem_shared>>
      tpu.enqueue_dma source(%arg9 : memref<128x64xf32, #tpu.memory_space<vmem>>) target(%dma_start3A_32 : memref<128x64xf32, #tpu.memory_space<vmem_shared>>) target_semaphore(%run_scoped3A : memref<!tpu.dma_semaphore, #tpu.memory_space<semaphore_mem>>)
      %dma_wait3A = arith.constant 0 : i32
      %dma_wait3A_33 = tpu.memref_slice %arg10[%add3A_20, %dma_wait3A] : memref<10240x64xf32, #tpu.memory_space<vmem_shared>> -> memref<128x64xf32, #tpu.memory_space<vmem_shared>>
      %dma_wait3A_34 = arith.constant 0 : i32
      %dma_wait3A_35 = tpu.memref_slice %arg10[%add3A_20, %dma_wait3A_34] : memref<10240x64xf32, #tpu.memory_space<vmem_shared>> -> memref<128x64xf32, #tpu.memory_space<vmem_shared>>
      tpu.wait_dma2 semaphore(%run_scoped3A : memref<!tpu.dma_semaphore, #tpu.memory_space<semaphore_mem>>) src(%arg9 : memref<128x64xf32, #tpu.memory_space<vmem>>) dst(%dma_wait3A_35 : memref<128x64xf32, #tpu.memory_space<vmem_shared>>)
      tpu.yield
    }) : () -> ()
    %barrier3A = arith.constant 0 : index
    tpu.barrier barrier_id(%barrier3A)
    %scan3A = arith.constant 0 : i32
    %scan3A_21 = arith.constant 80 : i32
    %scan3A_22 = arith.addi %scan3A, %scan3A_21 : i32
    %scan3A_23 = arith.constant 1 : i32
    scf.for %scan3A_30 = %scan3A to %scan3A_22 step %scan3A_23  : i32 {
      %mul3A_31 = arith.constant 1 : i32
      %mul3A_32 = arith.muli %scan3A_30, %mul3A_31 : i32
      %add3A_33 = arith.constant 0 : i32
      %add3A_34 = arith.addi %add3A_33, %mul3A_32 : i32
      %dma_start3A = arith.constant 0 : i32
      %dma_start3A_35 = tpu.memref_slice %arg7[%add3A_34, %dma_start3A] : memref<80x128xi32, #tpu.memory_space<vmem>> -> memref<1x128xi32, #tpu.memory_space<vmem>>
      %dma_start3A_36 = tpu.memref_squeeze %dma_start3A_35 : memref<1x128xi32, #tpu.memory_space<vmem>> -> memref<128xi32, #tpu.memory_space<vmem>>
      %dma_start3A_37 = arith.constant 0 : i32
      %dma_start3A_38 = arith.constant 0 : i32
      %dma_start3A_39 = tpu.memref_slice %arg2[%dma_start3A_37, %dma_start3A_38] : memref<10000x64xf32, #tpu.memory_space<hbm>> -> memref<10000x64xf32, #tpu.memory_space<hbm>>
      tpu.enqueue_indirect_dma source(%dma_start3A_39 : memref<10000x64xf32, #tpu.memory_space<hbm>>) target(%arg9 : memref<128x64xf32, #tpu.memory_space<vmem>>) offsets(%dma_start3A_36 : memref<128xi32, #tpu.memory_space<vmem>>) semaphore(%arg11 : memref<!tpu.dma_semaphore, #tpu.memory_space<semaphore_mem>>)
      %dma_wait3A = arith.constant 0 : i32
      %dma_wait3A_40 = tpu.memref_slice %arg7[%add3A_34, %dma_wait3A] : memref<80x128xi32, #tpu.memory_space<vmem>> -> memref<1x128xi32, #tpu.memory_space<vmem>>
      %dma_wait3A_41 = tpu.memref_squeeze %dma_wait3A_40 : memref<1x128xi32, #tpu.memory_space<vmem>> -> memref<128xi32, #tpu.memory_space<vmem>>
      %dma_wait3A_42 = arith.constant 0 : i32
      %dma_wait3A_43 = arith.constant 0 : i32
      %dma_wait3A_44 = tpu.memref_slice %arg2[%dma_wait3A_42, %dma_wait3A_43] : memref<10000x64xf32, #tpu.memory_space<hbm>> -> memref<10000x64xf32, #tpu.memory_space<hbm>>
      tpu.wait_indirect_dma semaphore(%arg11 : memref<!tpu.dma_semaphore, #tpu.memory_space<semaphore_mem>>) src(%dma_wait3A_44 : memref<10000x64xf32, #tpu.memory_space<hbm>>) dst(%arg9 : memref<128x64xf32, #tpu.memory_space<vmem>>)
      "tpu.region"() ({
        %run_scoped3A = tpu.sem_alloc : memref<!tpu.dma_semaphore, #tpu.memory_space<semaphore_mem>>
        %dma_start3A_45 = arith.constant 0 : i32
        %dma_start3A_46 = tpu.memref_slice %arg8[%add3A_34, %dma_start3A_45] : memref<80x128xi32, #tpu.memory_space<vmem>> -> memref<1x128xi32, #tpu.memory_space<vmem>>
        %dma_start3A_47 = tpu.memref_squeeze %dma_start3A_46 : memref<1x128xi32, #tpu.memory_space<vmem>> -> memref<128xi32, #tpu.memory_space<vmem>>
        %dma_start3A_48 = arith.constant 0 : i32
        %dma_start3A_49 = arith.constant 0 : i32
        %dma_start3A_50 = tpu.memref_slice %arg10[%dma_start3A_48, %dma_start3A_49] : memref<10240x64xf32, #tpu.memory_space<vmem_shared>> -> memref<10240x64xf32, #tpu.memory_space<vmem_shared>>
        tpu.enqueue_indirect_dma source(%arg9 : memref<128x64xf32, #tpu.memory_space<vmem>>) target(%dma_start3A_50 : memref<10240x64xf32, #tpu.memory_space<vmem_shared>>) offsets(%dma_start3A_47 : memref<128xi32, #tpu.memory_space<vmem>>) semaphore(%run_scoped3A : memref<!tpu.dma_semaphore, #tpu.memory_space<semaphore_mem>>) {add = true}
        %dma_wait3A_51 = arith.constant 0 : i32
        %dma_wait3A_52 = tpu.memref_slice %arg8[%add3A_34, %dma_wait3A_51] : memref<80x128xi32, #tpu.memory_space<vmem>> -> memref<1x128xi32, #tpu.memory_space<vmem>>
        %dma_wait3A_53 = tpu.memref_squeeze %dma_wait3A_52 : memref<1x128xi32, #tpu.memory_space<vmem>> -> memref<128xi32, #tpu.memory_space<vmem>>
        %dma_wait3A_54 = arith.constant 0 : i32
        %dma_wait3A_55 = arith.constant 0 : i32
        %dma_wait3A_56 = tpu.memref_slice %arg10[%dma_wait3A_54, %dma_wait3A_55] : memref<10240x64xf32, #tpu.memory_space<vmem_shared>> -> memref<10240x64xf32, #tpu.memory_space<vmem_shared>>
        tpu.wait_indirect_dma semaphore(%run_scoped3A : memref<!tpu.dma_semaphore, #tpu.memory_space<semaphore_mem>>) src(%arg9 : memref<128x64xf32, #tpu.memory_space<vmem>>) dst(%dma_wait3A_56 : memref<10240x64xf32, #tpu.memory_space<vmem_shared>>)
        tpu.yield
      }) : () -> ()
    }
    %scan3A_24 = arith.constant 80 : i32
    %barrier3A_25 = arith.constant 0 : index
    tpu.barrier barrier_id(%barrier3A_25)
    %mul3A_26 = arith.constant 640 : i32
    %mul3A_27 = arith.muli %arg1, %mul3A_26 : i32
    %mul3A_28 = arith.constant 640 : i32
    %mul3A_29 = arith.muli %arg1, %mul3A_28 : i32
    "tpu.region"() ({
      %run_scoped3A = tpu.sem_alloc : memref<!tpu.dma_semaphore, #tpu.memory_space<semaphore_mem>>
      %dma_start3A = arith.constant 0 : i32
      %dma_start3A_30 = tpu.memref_slice %arg6[%arg0, %mul3A_29, %dma_start3A] : memref<2x10240x64xf32, #tpu.memory_space<hbm>> -> memref<1x640x64xf32, #tpu.memory_space<hbm>>
      %dma_start3A_31 = tpu.memref_squeeze %dma_start3A_30 : memref<1x640x64xf32, #tpu.memory_space<hbm>> -> memref<640x64xf32, #tpu.memory_space<hbm>>
      %dma_start3A_32 = arith.constant 0 : i32
      %dma_start3A_33 = tpu.memref_slice %arg10[%mul3A_27, %dma_start3A_32] : memref<10240x64xf32, #tpu.memory_space<vmem_shared>> -> memref<640x64xf32, #tpu.memory_space<vmem_shared>>
      tpu.enqueue_dma source(%dma_start3A_33 : memref<640x64xf32, #tpu.memory_space<vmem_shared>>) target(%dma_start3A_31 : memref<640x64xf32, #tpu.memory_space<hbm>>) target_semaphore(%run_scoped3A : memref<!tpu.dma_semaphore, #tpu.memory_space<semaphore_mem>>)
      %dma_wait3A = arith.constant 0 : i32
      %dma_wait3A_34 = tpu.memref_slice %arg6[%arg0, %mul3A_29, %dma_wait3A] : memref<2x10240x64xf32, #tpu.memory_space<hbm>> -> memref<1x640x64xf32, #tpu.memory_space<hbm>>
      %dma_wait3A_35 = tpu.memref_squeeze %dma_wait3A_34 : memref<1x640x64xf32, #tpu.memory_space<hbm>> -> memref<640x64xf32, #tpu.memory_space<hbm>>
      %dma_wait3A_36 = arith.constant 0 : i32
      %dma_wait3A_37 = tpu.memref_slice %arg10[%mul3A_27, %dma_wait3A_36] : memref<10240x64xf32, #tpu.memory_space<vmem_shared>> -> memref<640x64xf32, #tpu.memory_space<vmem_shared>>
      tpu.wait_dma2 semaphore(%run_scoped3A : memref<!tpu.dma_semaphore, #tpu.memory_space<semaphore_mem>>) src(%dma_wait3A_37 : memref<640x64xf32, #tpu.memory_space<vmem_shared>>) dst(%dma_wait3A_35 : memref<640x64xf32, #tpu.memory_space<hbm>>)
      tpu.yield
    }) : () -> ()
    return
  }
}

module attributes {stable_mosaic.version = 14 : i64} {
  func.func @_prep_body(%arg0: memref<10000x128xf32, #tpu.memory_space<vmem>>, %arg1: memref<128x64xf32, #tpu.memory_space<vmem>>, %arg2: memref<2x10240x16xf32, #tpu.memory_space<vmem>>, %arg3: memref<10000x64xf32, #tpu.memory_space<vmem>>, %arg4: memref<10000x1xf32, #tpu.memory_space<vmem>>) attributes {dimension_semantics = [], scalar_prefetch = 0 : i64, scratch_operands = 0 : i64, tpu.core_type = #tpu.core_type<tc>} {
    %get3A = arith.constant 0 : index
    %get3A_0 = arith.constant 0 : index
    %get3A_1 = arith.constant 0 : index
    %get3A_2 = vector.load %arg2[%get3A, %get3A_0, %get3A_1] : memref<2x10240x16xf32, #tpu.memory_space<vmem>>, vector<2x10240x16xf32>
    %slice3A = vector.extract_strided_slice %get3A_2 {offsets = [0, 0, 0], sizes = [1, 10000, 1], strides = [1, 1, 1]} : vector<2x10240x16xf32> to vector<1x10000x1xf32>
    %squeeze3A = vector.shape_cast %slice3A : vector<1x10000x1xf32> to vector<10000x1xf32>
    %slice3A_3 = vector.extract_strided_slice %get3A_2 {offsets = [1, 0, 0], sizes = [1, 10000, 1], strides = [1, 1, 1]} : vector<2x10240x16xf32> to vector<1x10000x1xf32>
    %squeeze3A_4 = vector.shape_cast %slice3A_3 : vector<1x10000x1xf32> to vector<10000x1xf32>
    %add3A = arith.addf %squeeze3A, %squeeze3A_4 : vector<10000x1xf32>
    %add3A_5 = arith.constant 1.000000e+00 : f32
    %add3A_6 = vector.broadcast %add3A_5 : f32 to vector<10000x1xf32>
    %add3A_7 = arith.addf %add3A, %add3A_6 : vector<10000x1xf32>
    %rsqrt3A = math.rsqrt %add3A_7 : vector<10000x1xf32>
    %get3A_8 = arith.constant 0 : index
    %get3A_9 = arith.constant 0 : index
    %get3A_10 = vector.load %arg0[%get3A_8, %get3A_9] : memref<10000x128xf32, #tpu.memory_space<vmem>>, vector<10000x128xf32>
    %get3A_11 = arith.constant 0 : index
    %get3A_12 = arith.constant 0 : index
    %get3A_13 = vector.load %arg1[%get3A_11, %get3A_12] : memref<128x64xf32, #tpu.memory_space<vmem>>, vector<128x64xf32>
    %dot_general3A = arith.constant dense<0.000000e+00> : vector<10000x64xf32>
    %dot_general3A_14 = tpu.matmul %get3A_10, %get3A_13, %dot_general3A {dimension_numbers = #tpu.dot_dimension_numbers<[1], [0], [0], [1], [0, 0, 1, 1], [], []>, transpose_lhs_hint = false} : vector<10000x128xf32>, vector<128x64xf32>, vector<10000x64xf32> -> vector<10000x64xf32>
    %mul3A = vector.broadcast %rsqrt3A : vector<10000x1xf32> to vector<10000x64xf32>
    %mul3A_15 = arith.mulf %dot_general3A_14, %mul3A : vector<10000x64xf32>
    %swap3A = arith.constant 0 : index
    %swap3A_16 = arith.constant 0 : index
    %swap3A_17 = vector.load %arg3[%swap3A, %swap3A_16] : memref<10000x64xf32, #tpu.memory_space<vmem>>, vector<10000x64xf32>
    tpu.vector_store %arg3[%swap3A, %swap3A_16], %mul3A_15 {strides = array<i32>} : memref<10000x64xf32, #tpu.memory_space<vmem>>, vector<10000x64xf32>,
    %swap3A_18 = arith.constant 0 : index
    %swap3A_19 = arith.constant 0 : index
    %swap3A_20 = vector.load %arg4[%swap3A_18, %swap3A_19] : memref<10000x1xf32, #tpu.memory_space<vmem>>, vector<10000x1xf32>
    tpu.vector_store %arg4[%swap3A_18, %swap3A_19], %rsqrt3A {strides = array<i32>} : memref<10000x1xf32, #tpu.memory_space<vmem>>, vector<10000x1xf32>,
    return
  }
}

module attributes {stable_mosaic.version = 14 : i64} {
  func.func @_mid_body(%arg0: memref<2x10240x64xf32, #tpu.memory_space<vmem>>, %arg1: memref<10000x64xf32, #tpu.memory_space<vmem>>, %arg2: memref<10000x1xf32, #tpu.memory_space<vmem>>, %arg3: memref<1x64xf32, #tpu.memory_space<vmem>>, %arg4: memref<64x64xf32, #tpu.memory_space<vmem>>, %arg5: memref<10000x64xf32, #tpu.memory_space<vmem>>) attributes {dimension_semantics = [], scalar_prefetch = 0 : i64, scratch_operands = 0 : i64, tpu.core_type = #tpu.core_type<tc>} {
    %get3A = arith.constant 0 : index
    %get3A_0 = arith.constant 0 : index
    %get3A_1 = arith.constant 0 : index
    %get3A_2 = vector.load %arg0[%get3A, %get3A_0, %get3A_1] : memref<2x10240x64xf32, #tpu.memory_space<vmem>>, vector<1x10000x64xf32>
    %get3A_3 = vector.shape_cast %get3A_2 : vector<1x10000x64xf32> to vector<10000x64xf32>
    %get3A_4 = arith.constant 1 : index
    %get3A_5 = arith.constant 0 : index
    %get3A_6 = arith.constant 0 : index
    %get3A_7 = vector.load %arg0[%get3A_4, %get3A_5, %get3A_6] : memref<2x10240x64xf32, #tpu.memory_space<vmem>>, vector<1x10000x64xf32>
    %get3A_8 = vector.shape_cast %get3A_7 : vector<1x10000x64xf32> to vector<10000x64xf32>
    %add3A = arith.addf %get3A_3, %get3A_8 : vector<10000x64xf32>
    %get3A_9 = arith.constant 0 : index
    %get3A_10 = arith.constant 0 : index
    %get3A_11 = vector.load %arg2[%get3A_9, %get3A_10] : memref<10000x1xf32, #tpu.memory_space<vmem>>, vector<10000x1xf32>
    %get3A_12 = arith.constant 0 : index
    %get3A_13 = arith.constant 0 : index
    %get3A_14 = vector.load %arg1[%get3A_12, %get3A_13] : memref<10000x64xf32, #tpu.memory_space<vmem>>, vector<10000x64xf32>
    %add3A_15 = arith.addf %add3A, %get3A_14 : vector<10000x64xf32>
    %mul3A = vector.broadcast %get3A_11 : vector<10000x1xf32> to vector<10000x64xf32>
    %mul3A_16 = arith.mulf %mul3A, %add3A_15 : vector<10000x64xf32>
    %get3A_17 = arith.constant 0 : index
    %get3A_18 = arith.constant 0 : index
    %get3A_19 = vector.load %arg3[%get3A_17, %get3A_18] : memref<1x64xf32, #tpu.memory_space<vmem>>, vector<1x64xf32>
    %add3A_20 = vector.broadcast %get3A_19 : vector<1x64xf32> to vector<10000x64xf32>
    %add3A_21 = arith.addf %mul3A_16, %add3A_20 : vector<10000x64xf32>
    %max3A = arith.constant 0.000000e+00 : f32
    %max3A_22 = vector.broadcast %max3A : f32 to vector<10000x64xf32>
    %max3A_23 = arith.maximumf %add3A_21, %max3A_22 : vector<10000x64xf32>
    %get3A_24 = arith.constant 0 : index
    %get3A_25 = arith.constant 0 : index
    %get3A_26 = vector.load %arg4[%get3A_24, %get3A_25] : memref<64x64xf32, #tpu.memory_space<vmem>>, vector<64x64xf32>
    %dot_general3A = arith.constant dense<0.000000e+00> : vector<10000x64xf32>
    %dot_general3A_27 = tpu.matmul %max3A_23, %get3A_26, %dot_general3A {dimension_numbers = #tpu.dot_dimension_numbers<[1], [0], [0], [1], [0, 0, 1, 1], [], []>, transpose_lhs_hint = false} : vector<10000x64xf32>, vector<64x64xf32>, vector<10000x64xf32> -> vector<10000x64xf32>
    %mul3A_28 = vector.broadcast %get3A_11 : vector<10000x1xf32> to vector<10000x64xf32>
    %mul3A_29 = arith.mulf %dot_general3A_27, %mul3A_28 : vector<10000x64xf32>
    %swap3A = arith.constant 0 : index
    %swap3A_30 = arith.constant 0 : index
    %swap3A_31 = vector.load %arg5[%swap3A, %swap3A_30] : memref<10000x64xf32, #tpu.memory_space<vmem>>, vector<10000x64xf32>
    tpu.vector_store %arg5[%swap3A, %swap3A_30], %mul3A_29 {strides = array<i32>} : memref<10000x64xf32, #tpu.memory_space<vmem>>, vector<10000x64xf32>,
    return
  }
}

module attributes {stable_mosaic.version = 14 : i64} {
  func.func @_final_body(%arg0: memref<2x10240x64xf32, #tpu.memory_space<vmem>>, %arg1: memref<10000x64xf32, #tpu.memory_space<vmem>>, %arg2: memref<10000x1xf32, #tpu.memory_space<vmem>>, %arg3: memref<1x64xf32, #tpu.memory_space<vmem>>, %arg4: memref<10000x1xi32, #tpu.memory_space<vmem>>, %arg5: memref<64x64xf32, #tpu.memory_space<vmem>>, %arg6: memref<1x64xf32, #tpu.memory_space<vmem>>, %arg7: memref<64x32xf32, #tpu.memory_space<vmem>>, %arg8: memref<1x32xf32, #tpu.memory_space<vmem>>, %arg9: memref<16x32xf32, #tpu.memory_space<vmem>>) attributes {dimension_semantics = [], scalar_prefetch = 0 : i64, scratch_operands = 0 : i64, tpu.core_type = #tpu.core_type<tc>} {
    %get3A = arith.constant 0 : index
    %get3A_0 = arith.constant 0 : index
    %get3A_1 = arith.constant 0 : index
    %get3A_2 = vector.load %arg0[%get3A, %get3A_0, %get3A_1] : memref<2x10240x64xf32, #tpu.memory_space<vmem>>, vector<1x10000x64xf32>
    %get3A_3 = vector.shape_cast %get3A_2 : vector<1x10000x64xf32> to vector<10000x64xf32>
    %get3A_4 = arith.constant 1 : index
    %get3A_5 = arith.constant 0 : index
    %get3A_6 = arith.constant 0 : index
    %get3A_7 = vector.load %arg0[%get3A_4, %get3A_5, %get3A_6] : memref<2x10240x64xf32, #tpu.memory_space<vmem>>, vector<1x10000x64xf32>
    %get3A_8 = vector.shape_cast %get3A_7 : vector<1x10000x64xf32> to vector<10000x64xf32>
    %add3A = arith.addf %get3A_3, %get3A_8 : vector<10000x64xf32>
    %get3A_9 = arith.constant 0 : index
    %get3A_10 = arith.constant 0 : index
    %get3A_11 = vector.load %arg2[%get3A_9, %get3A_10] : memref<10000x1xf32, #tpu.memory_space<vmem>>, vector<10000x1xf32>
    %get3A_12 = arith.constant 0 : index
    %get3A_13 = arith.constant 0 : index
    %get3A_14 = vector.load %arg1[%get3A_12, %get3A_13] : memref<10000x64xf32, #tpu.memory_space<vmem>>, vector<10000x64xf32>
    %add3A_15 = arith.addf %add3A, %get3A_14 : vector<10000x64xf32>
    %mul3A = vector.broadcast %get3A_11 : vector<10000x1xf32> to vector<10000x64xf32>
    %mul3A_16 = arith.mulf %mul3A, %add3A_15 : vector<10000x64xf32>
    %get3A_17 = arith.constant 0 : index
    %get3A_18 = arith.constant 0 : index
    %get3A_19 = vector.load %arg3[%get3A_17, %get3A_18] : memref<1x64xf32, #tpu.memory_space<vmem>>, vector<1x64xf32>
    %add3A_20 = vector.broadcast %get3A_19 : vector<1x64xf32> to vector<10000x64xf32>
    %add3A_21 = arith.addf %mul3A_16, %add3A_20 : vector<10000x64xf32>
    %iota3A = tpu.iota {dimensions = array<i32: 1>} : vector<10000x16xi32>
    %get3A_22 = arith.constant 0 : index
    %get3A_23 = arith.constant 0 : index
    %get3A_24 = vector.load %arg4[%get3A_22, %get3A_23] : memref<10000x1xi32, #tpu.memory_space<vmem>>, vector<10000x1xi32>
    %eq3A = vector.broadcast %get3A_24 : vector<10000x1xi32> to vector<10000x16xi32>
    %eq3A_25 = arith.cmpi eq, %eq3A, %iota3A : vector<10000x16xi32>
    %convert_element_type3A = arith.extui %eq3A_25 : vector<10000x16xi1> to vector<10000x16xi32>
    %convert_element_type3A_26 = arith.sitofp %convert_element_type3A : vector<10000x16xi32> to vector<10000x16xf32>
    %dot_general3A = arith.constant dense<0.000000e+00> : vector<16x64xf32>
    %dot_general3A_27 = tpu.matmul %convert_element_type3A_26, %add3A_21, %dot_general3A {dimension_numbers = #tpu.dot_dimension_numbers<[0], [0], [1], [1], [0, 1, 1, 1], [], []>, transpose_lhs_hint = false} : vector<10000x16xf32>, vector<10000x64xf32>, vector<16x64xf32> -> vector<16x64xf32>
    %get3A_28 = arith.constant 0 : index
    %get3A_29 = arith.constant 0 : index
    %get3A_30 = vector.load %arg5[%get3A_28, %get3A_29] : memref<64x64xf32, #tpu.memory_space<vmem>>, vector<64x64xf32>
    %dot_general3A_31 = arith.constant dense<0.000000e+00> : vector<16x64xf32>
    %dot_general3A_32 = tpu.matmul %dot_general3A_27, %get3A_30, %dot_general3A_31 {dimension_numbers = #tpu.dot_dimension_numbers<[1], [0], [0], [1], [0, 0, 1, 1], [], []>, transpose_lhs_hint = false} : vector<16x64xf32>, vector<64x64xf32>, vector<16x64xf32> -> vector<16x64xf32>
    %get3A_33 = arith.constant 0 : index
    %get3A_34 = arith.constant 0 : index
    %get3A_35 = vector.load %arg6[%get3A_33, %get3A_34] : memref<1x64xf32, #tpu.memory_space<vmem>>, vector<1x64xf32>
    %add3A_36 = vector.broadcast %get3A_35 : vector<1x64xf32> to vector<16x64xf32>
    %add3A_37 = arith.addf %dot_general3A_32, %add3A_36 : vector<16x64xf32>
    %max3A = arith.constant 0.000000e+00 : f32
    %max3A_38 = vector.broadcast %max3A : f32 to vector<16x64xf32>
    %max3A_39 = arith.maximumf %add3A_37, %max3A_38 : vector<16x64xf32>
    %get3A_40 = arith.constant 0 : index
    %get3A_41 = arith.constant 0 : index
    %get3A_42 = vector.load %arg7[%get3A_40, %get3A_41] : memref<64x32xf32, #tpu.memory_space<vmem>>, vector<64x32xf32>
    %dot_general3A_43 = arith.constant dense<0.000000e+00> : vector<16x32xf32>
    %dot_general3A_44 = tpu.matmul %max3A_39, %get3A_42, %dot_general3A_43 {dimension_numbers = #tpu.dot_dimension_numbers<[1], [0], [0], [1], [0, 0, 1, 1], [], []>, transpose_lhs_hint = false} : vector<16x64xf32>, vector<64x32xf32>, vector<16x32xf32> -> vector<16x32xf32>
    %get3A_45 = arith.constant 0 : index
    %get3A_46 = arith.constant 0 : index
    %get3A_47 = vector.load %arg8[%get3A_45, %get3A_46] : memref<1x32xf32, #tpu.memory_space<vmem>>, vector<1x32xf32>
    %add3A_48 = vector.broadcast %get3A_47 : vector<1x32xf32> to vector<16x32xf32>
    %add3A_49 = arith.addf %dot_general3A_44, %add3A_48 : vector<16x32xf32>
    %reduce_max3A = arith.constant dense<0xFF800000> : vector<16xf32>
    %reduce_max3A_50 = vector.multi_reduction <maximumf>, %add3A_49, %reduce_max3A [1] : vector<16x32xf32> to vector<16xf32>
    %broadcast_in_dim3A = vector.shape_cast %reduce_max3A_50 : vector<16xf32> to vector<16x1xf32>
    %sub3A = vector.broadcast %broadcast_in_dim3A : vector<16x1xf32> to vector<16x32xf32>
    %sub3A_51 = arith.subf %add3A_49, %sub3A : vector<16x32xf32>
    %exp3A = math.exp %sub3A_51 : vector<16x32xf32>
    %reduce_sum3A = arith.constant dense<0.000000e+00> : vector<16xf32>
    %reduce_sum3A_52 = vector.multi_reduction <add>, %exp3A, %reduce_sum3A [1] : vector<16x32xf32> to vector<16xf32>
    %broadcast_in_dim3A_53 = vector.shape_cast %reduce_sum3A_52 : vector<16xf32> to vector<16x1xf32>
    %log3A = math.log %broadcast_in_dim3A_53 : vector<16x1xf32>
    %add3A_54 = arith.addf %log3A, %broadcast_in_dim3A : vector<16x1xf32>
    %sub3A_55 = vector.broadcast %add3A_54 : vector<16x1xf32> to vector<16x32xf32>
    %sub3A_56 = arith.subf %add3A_49, %sub3A_55 : vector<16x32xf32>
    %swap3A = arith.constant 0 : index
    %swap3A_57 = arith.constant 0 : index
    %swap3A_58 = vector.load %arg9[%swap3A, %swap3A_57] : memref<16x32xf32, #tpu.memory_space<vmem>>, vector<16x32xf32>
    tpu.vector_store %arg9[%swap3A, %swap3A_57], %sub3A_56 {strides = array<i32>} : memref<16x32xf32, #tpu.memory_space<vmem>>, vector<16x32xf32>,
    return
  }
}

</mosaic_0001>

<sc_bundles>
// kernel: kernel.10.cloned.1.call-start
scs
__scs_entry_jumppad:
0x0: {  	(pc) =	sbr.rel $0x88, $3  }
0x1: {  	(tag) =	ssettag $0x0;
	lr =	simm.s32 $0x1  }
0x2: {  	[smem:$0x3F94] =	sst lr;
	_ =	strace $0xD0000000  }
0x3: {  	_ = 	snop  }
0x4: {  	_ = 	snop  }
0x5: {  	_ = 	snop  }
0x6: {  	_ = 	snop  }
0x7: {  	_ = 	snop  }
__scs_overlays_trampoline_lowered:
0x8: {  	[smem:$0x3FA3] =	sst s0  }
0x9: {  	[smem:$0x3FA4] =	sst s1  }
0xa: {  	[smem:$0x3FA5] =	sst s2  }
0xb: {  	[smem:$0x3FA6] =	sst s3  }
0xc: {  	[smem:$0x3FA7] =	sst s4  }
0xd: {  	[smem:$0x3FA8] =	sst s5  }
0xe: {  	[smem:$0x3FA9] =	sst s6  }
0xf: {  	[smem:$0x3FAA] =	sst s7  }
0x10: {  	[smem:$0x3FAB] =	sst s8  }
0x11: {  	[smem:$0x3FAC] =	sst s9;
	s0 =	simm.s32 @!p0 $0x0  }
0x12: {  	s1 =	sld [smem:$0x3F92];
	s0 =	simm.s32 @p0 $0x1  }
0x13: {  	[smem:$0x3FAD] =	sst s0;
	s0 =	simm.s32 @!p1 $0x0  }
0x14: {  	s2 =	sld [smem:$0x3F91];
	s0 =	simm.s32 @p1 $0x1  }
0x15: {  	[smem:$0x3FAE] =	sst s0;
	s0 =	simm.s32 @!p2 $0x0  }
0x16: {  	s3 =	sld [smem:$0x3FDB];
	s0 =	simm.s32 @p2 $0x1  }
0x17: {  	s4 =	simm.s32 $0x1BF5;
	[smem:$0x3FB0] =	sst s0  }
0x18: {  	s0 =	sld [smem:$0x3F93];
	_ =	swait.ge [sflag:s4], $0x0  }
0x19: {  	s7 =	sld [smem:$0x3F94]  }
0x1a: {  	s8 =	sadd.s32 $0xFFFFE003, lr  }
0x1b: {  	s9 =	sadd.s32 $0xFFFFFEF7, lr;
	s5 =	simm.s32 $0xFFFFFFFF;
	p2 =	slt.u32 s8, $0xFFFFF086  }
0x1c: {  	p1 =	slt.u32 s9, $0xF7A;
	s5 =	simm.s32 @!p2 $0x0  }
0x1d: {  	s5 =	simm.s32 @p1 $0x1;
	p0 =	seq.s32 s7, s2  }
0x1e: {  	s7 =	smul.u32 @!p0 $0xF7A, s2;
	p2 =	seq.s32 @!p0 s5, $0x0  }
0x1f: {  	s9 =	smul.u32 $0xF7A, s1;
	s8 =	simm.s32 @!p0 $0x1BF5;
	p2 =	por !p2, p0  }
0x20: {  	[sflag:s8] =	ssyncset.s32 @!p0 $0xFFFFF086;
	s6 =	sadd.s32 @!p0 s3, s7;
	s7 =	simm.s32 @!p0 $0x108  }
0x21: {  	s3 =	sadd.s32 s3, s9;
	s6 =	sadd.s32 @!p0 $0x88, s6;
	s7 =	simm.s32 @p2 $0x1082  }
0x22: {  	[simem:s7], [sflag:s8] =	dma.local @!p0 [hbm:s6], $0xF7A  }
0x23: {  	s9 =	sor.u32 $0xD0000000, s2;
	s6 =	simm.s32 $0x108;
	_ =	swait.ge @!p0 [sflag:s8], $0x0  }
0x24: {  	s3 =	sadd.s32 $0x88, s3;
	s6 =	simm.s32 @!p1 $0x1082;
	[sflag:s4] =	ssyncset.s32 $0xFFFFF086  }
0x25: {  	[simem:s6], [sflag:s4] =	dma.local [hbm:s3], $0xF7A  }
0x26: {  	[smem:$0x3F94] =	sst s1;
	(tag) =	ssettag s2;
	_ =	strace s9  }
0x27: {  	s1 =	sld [smem:$0x3FA4]  }
0x28: {  	s2 =	sld [smem:$0x3FA5]  }
0x29: {  	s4 =	sld [smem:$0x3FA7]  }
0x2a: {  	p0 =	seq.s32 s5, $0x0;
	s5 =	sld [smem:$0x3FA8]  }
0x2b: {  	s6 =	sld [smem:$0x3FA9]  }
0x2c: {  	s7 =	sld [smem:$0x3FAA]  }
0x2d: {  	s3 =	simm.s32 $0x108;
	s8 =	sld [smem:$0x3FAB]  }
0x2e: {  	s3 =	simm.s32 @!p0 $0x1082;
	s9 =	sld [smem:$0x3FAC]  }
0x2f: {  	lr =	sadd.s32 s0, s3;
	s0 =	sld [smem:$0x3FA3]  }
0x30: {  	s3 =	sld [smem:$0x3FA6]  }
0x31: {  	[smem:$0x3FAF] =	sst s10  }
0x32: {  	s10 =	sld [smem:$0x3FAD];
	_ =	sdelay $0x3  }
0x33: {  	p0 =	seq.s32 s10, $0x1;
	s10 =	sld [smem:$0x3FAF];
	_ =	sdelay $0x3  }
0x34: {  	[smem:$0x3FAF] =	sst s10  }
0x35: {  	s10 =	sld [smem:$0x3FAE];
	_ =	sdelay $0x3  }
0x36: {  	p1 =	seq.s32 s10, $0x1;
	s10 =	sld [smem:$0x3FAF];
	_ =	sdelay $0x3  }
0x37: {  	[smem:$0x3FAF] =	sst s10  }
0x38: {  	s10 =	sld [smem:$0x3FB0]  }
0x39: {  	_ = 	snop;
	(pc) =	sbr.ind lr, $3  }
0x3a: {  	_ = 	snop  }
0x3b: {  	_ = 	snop  }
0x3c: {  	p2 =	seq.s32 s10, $0x1;
	s10 =	sld [smem:$0x3FAF]  }
0x3d: {  	_ =	shalt  }
0x3e: {  	_ =	shalt  }
0x3f: {  	_ =	shalt  }
0x40: {  	_ =	shalt  }
0x41: {  	_ =	shalt  }
0x42: {  	_ =	shalt  }
0x43: {  	_ =	shalt  }
0x44: {  	_ =	shalt  }
0x45: {  	_ =	shalt  }
0x46: {  	_ =	shalt  }
0x47: {  	_ =	shalt  }
0x48: {  	_ =	shalt  }
0x49: {  	_ =	shalt  }
0x4a: {  	_ =	shalt  }
0x4b: {  	_ =	shalt  }
0x4c: {  	_ =	shalt  }
0x4d: {  	_ =	shalt  }
0x4e: {  	_ =	shalt  }
0x4f: {  	_ =	shalt  }
0x50: {  	_ =	shalt  }
0x51: {  	_ =	shalt  }
0x52: {  	_ =	shalt  }
0x53: {  	_ =	shalt  }
0x54: {  	_ =	shalt  }
0x55: {  	_ =	shalt  }
0x56: {  	_ =	shalt  }
0x57: {  	_ =	shalt  }
0x58: {  	_ =	shalt  }
0x59: {  	_ =	shalt  }
0x5a: {  	_ =	shalt  }
0x5b: {  	_ =	shalt  }
0x5c: {  	_ =	shalt  }
0x5d: {  	_ =	shalt  }
0x5e: {  	_ =	shalt  }
0x5f: {  	_ =	shalt  }
0x60: {  	_ =	shalt  }
0x61: {  	_ =	shalt  }
0x62: {  	_ =	shalt  }
0x63: {  	_ =	shalt  }
0x64: {  	_ =	shalt  }
0x65: {  	_ =	shalt  }
0x66: {  	_ =	shalt  }
0x67: {  	_ =	shalt  }
0x68: {  	_ =	shalt  }
0x69: {  	_ =	shalt  }
0x6a: {  	_ =	shalt  }
0x6b: {  	_ =	shalt  }
0x6c: {  	_ =	shalt  }
0x6d: {  	_ =	shalt  }
0x6e: {  	_ =	shalt  }
0x6f: {  	_ =	shalt  }
0x70: {  	_ =	shalt  }
0x71: {  	_ =	shalt  }
0x72: {  	_ =	shalt  }
0x73: {  	_ =	shalt  }
0x74: {  	_ =	shalt  }
0x75: {  	_ =	shalt  }
0x76: {  	_ =	shalt  }
0x77: {  	_ =	shalt  }
0x78: {  	_ =	shalt  }
0x79: {  	_ =	shalt  }
0x7a: {  	_ =	shalt  }
0x7b: {  	_ =	shalt  }
0x7c: {  	_ =	shalt  }
0x7d: {  	_ =	shalt  }
0x7e: {  	_ =	shalt  }
0x7f: {  	_ =	shalt  }
0x80: {  	_ =	shalt  }
0x81: {  	_ =	shalt  }
0x82: {  	_ =	shalt  }
0x83: {  	_ =	shalt  }
0x84: {  	_ =	shalt  }
0x85: {  	_ =	shalt  }
0x86: {  	_ =	shalt  }
0x87: {  	_ =	shalt  }
.Lfunc_end0:
.L_simem_size_0:
called_computation_lowered:
.L_overlay_start_0:
0x88: {  	s2 =	sld [smem:$0x3FD9]  }
0x89: {  	s3 =	sld [smem:$0x3FFE];
	_ =	sdelay $0x1  }
0x8a: {  	s1 =	srdreg.scid  }
0x8b: {  	s0 =	sand.u32 $0x1, s1  }
0x8c: {  	s17 =	sshll.u32 s0, $0xA;
	s2 =	sadd.s32 s3, s2  }
0x8d: {  	s2 =	sadd.s32 s2, s17  }
0x8e: {  	[smem:$0x3FBB] =	sst s2  }
0x8f: {  	_ = 	snop  }
0x90: {  	s2 =	sld [smem:$0x3FD0];
	(tm) =	ssettm $0x1  }
0x91: {  	s18 =	sld [smem:$0x3FFB];
	_ =	sdelay $0x3  }
0x92: {  	_ =	strace s18  }
0x93: {  	s3 =	sld [smem:$0x3FFC];
	_ =	sdelay $0x3  }
0x94: {  	_ =	strace s3  }
0x95: {  	s3 =	sld [smem:$0x3FFD];
	_ =	sdelay $0x3  }
0x96: {  	_ =	strace s3  }
0x97: {  	_ =	strace $0x8FFFFFFF  }
0x98: {  	s19 =	sld [smem:$0x3FDB];
	_ =	sdelay $0x1  }
0x99: {  	s4 =	simm.s32 $_scs_section_size  }
0x9a: {  	s5 =	simm.s32 $_size__tile_overlayer_lowered;
	s6 =	simm.s32 $_tile_overlayer_lowered  }
0x9b: {  	s22 =	simm.s32 $0x1BFF;
	s21 =	sshll.u32 s6, $0x1;
	s3 =	sadd.s32 s4, s19  }
0x9c: {  	s7 =	simm.s32 $0x0;
	s20 =	sshll.u32 s5, $0x1;
	s5 =	sadd.s32 s21, s3  }
0x9d: {  	[timem:s7], [sflag:s22] =	dma.local [hbm:s5], s20  }
0x9e: {  	_ =	swait.ge [sflag:s22], s20  }
0x9f: {  	s4 =	ssub.s32 $0x0, s20;
	[sflag:s22] =	ssyncset.done $0x0  }
0xa0: {  	[sflag:s22] =	ssyncadd.s32 s4;
	_ =	sdelay $0x1  }
0xa1: {  	s23 =	simm.s32 $0x1B8B  }
0xa2: {  	_ =	swait.ge [sflag:s23], $0x1  }
0xa3: {  	[sflag:s23] =	ssyncset.done $0x0  }
0xa4: {  	s25 =	simm.s32 $0x1B8E;
	s24 =	sld [smem:$0x3FFE];
	[sflag:s23] =	ssyncadd.s32 $0xFFFFFFFF  }
0xa5: {  	s26 =	simm.s32 $execute0_lowered;
	[smem:$0x3FD2] =	sst s25  }
0xa6: {  	s5 =	sshll.u32 s26, $0x1;
	_ =	strace $0x80000046;
	[dreg:$0x1] =	wrdreg $0xFFFFFFFF  }
0xa7: {  	s28 =	simm.s32 $_size_execute0_lowered;
	s3 =	sadd.s32 s3, s5;
	[dreg:$0x0] =	wrdreg $0x0  }
0xa8: {  	s5 =	sshll.u32 s28, $0x1;
	[dreg:$0x2] =	wrdreg s3  }
0xa9: {  	[dreg:$0x3] =	wrdreg s5  }
0xaa: {  	[dreg:$0x4] =	wrdreg $0xC0  }
0xab: {  	_ =	task [dreg:s7], $0x5FFFF  }
0xac: {  	[dreg:$0x1] =	wrdreg $0xFFFFFFFF  }
0xad: {  	[dreg:$0x0] =	wrdreg $0x60  }
0xae: {  	[dreg:$0x2] =	wrdreg s24  }
0xaf: {  	[dreg:$0x3] =	wrdreg s2  }
0xb0: {  	[dreg:$0x4] =	wrdreg $0x30000  }
0xb1: {  	[dreg:$0x5] =	wrdreg $0x9  }
0xb2: {  	_ =	task.clear_ibuf [dreg:s7], $0x6FFFF;
	_ =	strace $0x90000046  }
0xb3: {  	s29 =	simm.s32 $0x9;
	_ =	strace $0x80000048  }
0xb4: {  	_ =	swait.ge [sflag:s29], $0x1  }
0xb5: {  	[sflag:s29] =	ssyncadd.s32 $0xFFFFFFFF  }
0xb6: {  	_ =	strace $0x90000048  }
0xb7: {  	_ =	sfence  }
0xb8: {  	s30 =	sld [smem:$0x0];
	_ =	sdelay $0x2  }
0xb9: {  	s31 =	sshll.u32 s1, $0xD;
	s1 =	sshrl.u32 s1, $0x2  }
0xba: {  	s3 =	sand.u32 $0x4000, s31;
	s1 =	sadd.s32 s1, s30  }
0xbb: {  	s0 =	sor.u32 s3, s0;
	s1 =	sshll.u32 s1, $0x11  }
0xbc: {  	s0 =	sor.u32 s1, s0  }
0xbd: {  	s0 =	sadd.s32 $0x8F2B, s0  }
0xbe: {  	[sflag:s0] =	ssyncadd.remote.s32 $0x1  }
0xbf: {  	_ =	sfence.sel $0xFFFF  }
0xc0: {  	[dreg:$0x0] =	wrdreg $0xFFFFFFFF;
	(pc) =	sbr.abs _section_cstart, $3  }
0xc1: {  	[dreg:$0x1] =	wrdreg $0xFFFFFFFF  }
0xc2: {  	_ =	task.clear_ibuf [dreg:s7], $0x2FFFF;
	_ =	strace $0x9FFFFFFF  }
0xc3: {  	(tm) =	ssettm $0x7FFFFFFF  }
tec
execute0_lowered:
.L_overlay_start_1:
0x0: {  	(tag) =	ssettag $0x1  }
0x1: {  	s7 =	rddreg [dreg:$0x0]  }
0x2: {  	s2 =	rddreg [dreg:$0x1]  }
0x3: {  	s0 =	srdreg.scid;
	s3 =	rddreg [dreg:$0x2];
	s4 =	simm.s32 $0x0  }
0x4: {  	s15 =	simm.s32 $0x2800;
	s6 =	sand.u32 $0x1, s0;
	s0 =	stileid.u32  }
0x5: {  	s16 =	simm.s32 $0x80;
	s19 =	simm.s32 $0x0;
	s8 =	smul.u32 $0x2800, s0  }
0x6: {  	[smem:$0x7FF] =	sst s4;
	s1 =	sshll.u32 s6, $0x4;
	s9 =	smul.u32 $0x28000, s6  }
0x7: {  	s11 =	smul.u32 $0xA000, s0;
	s6 =	ssub.s32 $0x2, s6;
	s17 =	sshll.u32 s0, $0x6  }
0x8: {  	s1 =	sor.u32 s0, s1;
	s12 =	sshrl.u32 s6, $0x1;
	s17 =	sor.u32 $0x1C01, s17  }
0x9: {  	s5 =	smul.u32 $0x500, s1;
	s1 =	rddreg [dreg:$0x3];
	_ =	strace $0x80000047  }
0xa: {  	s9 =	sadd.s32 s8, s9;
	s11 =	sshrl.u32 s11, $0x2;
	s14 =	ssub.s32 s6, s12  }
0xb: {  	s9 =	sshrl.u32 s9, $0x3;
	s11 =	sadd.s32 s11, s3;
	s10 =	sadd.s32 s5, s7  }
0xc: {  	s5 =	sadd.s32 $0xC800, s7;
	s13 =	sadd.s32 s9, s7;
	s7 =	sadd.s32 s8, s3  }
0xd: {  	s8 =	sadd.s32 $0x800, s11;
	s9 =	sadd.s32 $0x1000, s11;
	s6 =	sadd.s32 $0x2800, s10  }
0xe: {  	s10 =	sadd.s32 $0x1800, s11;
	s11 =	sadd.s32 $0x2000, s11;
	s12 =	sadd.s32 $0xCA00, s13  }
0xf: {  	s13 =	smax.u32 s14, $0x1;
	s14 =	simm.s32 $0x1;
	s18 =	sshrl.u32 s7, $0x3  }
.LBB2_1:
0x10: {  	[tilespmem:s4], [sflag:$0x1] =	stream.linear.gather [hbm4b:s6+s4], $0x2800, $0x38;
	[tilespmem:$0x5800] =	vst v63  }
0x11: {  	_ =	swait.ge [sflag:s14], $0x2800  }
0x12: {  	[sflag:s14] =	ssyncset.done $0x0  }
0x13: {  	[sflag:s14] =	ssyncadd.s32 $0xFFFFD800  }
0x14: {  	[tilespmem:s15], [sflag:$0x1] =	stream.linear.gather [hbm4b:s2+s4], $0x800, $0x38;
	[tilespmem:$0x5800] =	vst v63  }
0x15: {  	_ =	swait.ge [sflag:s14], $0x800  }
0x16: {  	[sflag:s14] =	ssyncset.done $0x0  }
0x17: {  	[sflag:s14] =	ssyncadd.s32 $0xFFFFF800  }
0x18: {  	[spmem:s7] =	stream.linear.scatter [tilespmem:s15], [sflag:$0x1], $0x800, $0x38;
	[tilespmem:$0x5800] =	vst v63  }
0x19: {  	_ =	swait.ge [sflag:s14], $0x800  }
0x1a: {  	[sflag:s14] =	ssyncset.done $0x0  }
0x1b: {  	[sflag:s14] =	ssyncadd.s32 $0xFFFFF800  }
0x1c: {  	[spmem:s8] =	stream.linear.scatter [tilespmem:s15], [sflag:$0x1], $0x800, $0x38;
	[tilespmem:$0x5800] =	vst v63  }
0x1d: {  	_ =	swait.ge [sflag:s14], $0x800  }
0x1e: {  	[sflag:s14] =	ssyncset.done $0x0  }
0x1f: {  	[sflag:s14] =	ssyncadd.s32 $0xFFFFF800  }
0x20: {  	[spmem:s9] =	stream.linear.scatter [tilespmem:s15], [sflag:$0x1], $0x800, $0x38;
	[tilespmem:$0x5800] =	vst v63  }
0x21: {  	_ =	swait.ge [sflag:s14], $0x800  }
0x22: {  	[sflag:s14] =	ssyncset.done $0x0  }
0x23: {  	[sflag:s14] =	ssyncadd.s32 $0xFFFFF800  }
0x24: {  	[spmem:s10] =	stream.linear.scatter [tilespmem:s15], [sflag:$0x1], $0x800, $0x38;
	[tilespmem:$0x5800] =	vst v63  }
0x25: {  	_ =	swait.ge [sflag:s14], $0x800  }
0x26: {  	[sflag:s14] =	ssyncset.done $0x0  }
0x27: {  	[sflag:s14] =	ssyncadd.s32 $0xFFFFF800  }
0x28: {  	[spmem:s11] =	stream.linear.scatter [tilespmem:s15], [sflag:$0x1], $0x800, $0x38;
	[tilespmem:$0x5800] =	vst v63  }
0x29: {  	_ =	swait.ge [sflag:s14], $0x800  }
0x2a: {  	[sflag:s14] =	ssyncset.done $0x0  }
0x2b: {  	[sflag:s14] =	ssyncadd.s32 $0xFFFFF800  }
0x2c: {  	[tilespmem:s15], [sflag:$0x1] =	stream.linear.gather [hbm4b:s5+s4], $0x800, $0x38;
	[tilespmem:$0x5800] =	vst v63  }
0x2d: {  	_ =	swait.ge [sflag:s14], $0x800  }
0x2e: {  	[sflag:s14] =	ssyncset.done $0x0  }
0x2f: {  	[sflag:s14] =	ssyncadd.s32 $0xFFFFF800  }
0x30: {  	s20 =	simm.s32 $0x0;
	[bflag:$0x0] =	sbarrier.arrive $0xFFFF  }
0x31: {  	[spmem:s3] =	stream.indirect.scatter.add.f32 [tilespmem:s15], [sflag:$0x1], $0x10, s20, s16, $0xb8;
	[tilespmem:$0x5800] =	vst v63  }
0x32: {  	_ =	swait.ge [sflag:s14], $0x800  }
0x33: {  	s20 =	simm.s32 $0x200;
	[sflag:s14] =	ssyncset.done $0x0  }
.LBB2_2:
0x34: {  	s21 =	sshra.s32 s20, $0x2;
	[sflag:s14] =	ssyncadd.s32 $0xFFFFF800;
	p0 =	sne.s32 s20, $0x9E00  }
0x35: {  	[spmem:s3] =	stream.indirect.scatter.add.f32 [tilespmem:s15], [sflag:$0x1], $0x10, s21, s16, $0xb8;
	[tilespmem:$0x5800] =	vst v63  }
.Ltmp0:
0x36: {  	_ = 	snop;
	(pc) =	sbr.rel @p0 .LBB2_2-.Ltmp0, $4  }
0x37: {  	_ = 	snop  }
0x38: {  	s20 =	sadd.s32 $0x200, s20  }
0x39: {  	_ =	swait.ge [sflag:s14], $0x800  }
0x3a: {  	[sflag:s14] =	ssyncset.done $0x0  }
0x3b: {  	s19 =	sadd.s32 $0x1, s19  }
0x3c: {  	[sflag:s14] =	ssyncadd.s32 $0xFFFFF800;
	p0 =	sne.s32 s19, s13  }
.Ltmp1:
0x3d: {  	[bflag:$0x0] =	sbarrier.arrive $0xFFFF;
	(pc) =	sbr.rel @p0 .LBB2_1-.Ltmp1, $4  }
0x3e: {  	[hbm:s12], [sflag:s17] =	dma.local [spmem:s18], $0x500  }
0x3f: {  	_ =	swait.ge [sflag:s14], $0x500  }
0x40: {  	[sflag:s14] =	ssyncset.done $0x0  }
0x41: {  	[sflag:s14] =	ssyncadd.s32 $0xFFFFFB00  }
0x42: {  	_ =	sfence.sel $0x180000  }
0x43: {  	[bflag:$0x0] =	sbarrier.arrive $0xFFFF  }
0x44: {  	p0 =	sne.s32 s0, $0x0;
	_ =	strace $0x90000047  }
0x45: {  	s0 =	sadd.s32 @!p0 $0x100000, s1;
	[bflag:$0x2] =	sbarrier.arrive $0xFFFF  }
0x46: {  	[sflag:s0] =	ssyncadd.tile.s32 @!p0 $0x1;
	_ =	shalt  }
.Lfunc_end2:
_tile_overlayer_lowered:
.L_overlay_start_2:
0x47: {  	(tag) =	ssettag $0x2  }
0x48: {  	s0 =	rddreg [dreg:$0x0];
	s2 =	stileid.u32  }
0x49: {  	s1 =	rddreg [dreg:$0x1];
	p0 =	sne.s32 s2, $0x0  }
0x4a: {  	s3 =	rddreg [dreg:$0x2];
	[bflag:$0x3] =	sbarrier.arrive $0xFFFF;
	s2 =	simm.s32 @!p0 $0x1C01  }
0x4b: {  	[timem:s3], [sflag:s2] =	dma.local @!p0 [hbm:s0], s1  }
0x4c: {  	s0 =	simm.s32 @!p0 $0x1  }
0x4d: {  	_ =	swait.ge @!p0 [sflag:s0], s1  }
0x4e: {  	s1 =	ssub.s32 @!p0 $0x0, s1;
	[sflag:s0] =	ssyncset.done @!p0 $0x0  }
0x4f: {  	[sflag:s0] =	ssyncadd.s32 @!p0 s1  }
0x50: {  	[bflag:$0x3] =	sbarrier.arrive $0xFFFF  }
0x51: {  	_ =	shalt  }

// kernel: kernel.13.cloned.1.call-start
scs
__scs_entry_jumppad:
0x0: {  	(pc) =	sbr.rel $0x88, $3  }
0x1: {  	(tag) =	ssettag $0x0;
	lr =	simm.s32 $0x1  }
0x2: {  	[smem:$0x3F94] =	sst lr;
	_ =	strace $0xD0000000  }
0x3: {  	_ = 	snop  }
0x4: {  	_ = 	snop  }
0x5: {  	_ = 	snop  }
0x6: {  	_ = 	snop  }
0x7: {  	_ = 	snop  }
__scs_overlays_trampoline_lowered:
0x8: {  	[smem:$0x3FA3] =	sst s0  }
0x9: {  	[smem:$0x3FA4] =	sst s1  }
0xa: {  	[smem:$0x3FA5] =	sst s2  }
0xb: {  	[smem:$0x3FA6] =	sst s3  }
0xc: {  	[smem:$0x3FA7] =	sst s4  }
0xd: {  	[smem:$0x3FA8] =	sst s5  }
0xe: {  	[smem:$0x3FA9] =	sst s6  }
0xf: {  	[smem:$0x3FAA] =	sst s7  }
0x10: {  	[smem:$0x3FAB] =	sst s8  }
0x11: {  	[smem:$0x3FAC] =	sst s9;
	s0 =	simm.s32 @!p0 $0x0  }
0x12: {  	s1 =	sld [smem:$0x3F92];
	s0 =	simm.s32 @p0 $0x1  }
0x13: {  	[smem:$0x3FAD] =	sst s0;
	s0 =	simm.s32 @!p1 $0x0  }
0x14: {  	s2 =	sld [smem:$0x3F91];
	s0 =	simm.s32 @p1 $0x1  }
0x15: {  	[smem:$0x3FAE] =	sst s0;
	s0 =	simm.s32 @!p2 $0x0  }
0x16: {  	s3 =	sld [smem:$0x3FDB];
	s0 =	simm.s32 @p2 $0x1  }
0x17: {  	s4 =	simm.s32 $0x1BF5;
	[smem:$0x3FB0] =	sst s0  }
0x18: {  	s0 =	sld [smem:$0x3F93];
	_ =	swait.ge [sflag:s4], $0x0  }
0x19: {  	s7 =	sld [smem:$0x3F94]  }
0x1a: {  	s8 =	sadd.s32 $0xFFFFE003, lr  }
0x1b: {  	s9 =	sadd.s32 $0xFFFFFEF7, lr;
	s5 =	simm.s32 $0xFFFFFFFF;
	p2 =	slt.u32 s8, $0xFFFFF086  }
0x1c: {  	p1 =	slt.u32 s9, $0xF7A;
	s5 =	simm.s32 @!p2 $0x0  }
0x1d: {  	s5 =	simm.s32 @p1 $0x1;
	p0 =	seq.s32 s7, s2  }
0x1e: {  	s7 =	smul.u32 @!p0 $0xF7A, s2;
	p2 =	seq.s32 @!p0 s5, $0x0  }
0x1f: {  	s9 =	smul.u32 $0xF7A, s1;
	s8 =	simm.s32 @!p0 $0x1BF5;
	p2 =	por !p2, p0  }
0x20: {  	[sflag:s8] =	ssyncset.s32 @!p0 $0xFFFFF086;
	s6 =	sadd.s32 @!p0 s3, s7;
	s7 =	simm.s32 @!p0 $0x108  }
0x21: {  	s3 =	sadd.s32 s3, s9;
	s6 =	sadd.s32 @!p0 $0x88, s6;
	s7 =	simm.s32 @p2 $0x1082  }
0x22: {  	[simem:s7], [sflag:s8] =	dma.local @!p0 [hbm:s6], $0xF7A  }
0x23: {  	s9 =	sor.u32 $0xD0000000, s2;
	s6 =	simm.s32 $0x108;
	_ =	swait.ge @!p0 [sflag:s8], $0x0  }
0x24: {  	s3 =	sadd.s32 $0x88, s3;
	s6 =	simm.s32 @!p1 $0x1082;
	[sflag:s4] =	ssyncset.s32 $0xFFFFF086  }
0x25: {  	[simem:s6], [sflag:s4] =	dma.local [hbm:s3], $0xF7A  }
0x26: {  	[smem:$0x3F94] =	sst s1;
	(tag) =	ssettag s2;
	_ =	strace s9  }
0x27: {  	s1 =	sld [smem:$0x3FA4]  }
0x28: {  	s2 =	sld [smem:$0x3FA5]  }
0x29: {  	s4 =	sld [smem:$0x3FA7]  }
0x2a: {  	p0 =	seq.s32 s5, $0x0;
	s5 =	sld [smem:$0x3FA8]  }
0x2b: {  	s6 =	sld [smem:$0x3FA9]  }
0x2c: {  	s7 =	sld [smem:$0x3FAA]  }
0x2d: {  	s3 =	simm.s32 $0x108;
	s8 =	sld [smem:$0x3FAB]  }
0x2e: {  	s3 =	simm.s32 @!p0 $0x1082;
	s9 =	sld [smem:$0x3FAC]  }
0x2f: {  	lr =	sadd.s32 s0, s3;
	s0 =	sld [smem:$0x3FA3]  }
0x30: {  	s3 =	sld [smem:$0x3FA6]  }
0x31: {  	[smem:$0x3FAF] =	sst s10  }
0x32: {  	s10 =	sld [smem:$0x3FAD];
	_ =	sdelay $0x3  }
0x33: {  	p0 =	seq.s32 s10, $0x1;
	s10 =	sld [smem:$0x3FAF];
	_ =	sdelay $0x3  }
0x34: {  	[smem:$0x3FAF] =	sst s10  }
0x35: {  	s10 =	sld [smem:$0x3FAE];
	_ =	sdelay $0x3  }
0x36: {  	p1 =	seq.s32 s10, $0x1;
	s10 =	sld [smem:$0x3FAF];
	_ =	sdelay $0x3  }
0x37: {  	[smem:$0x3FAF] =	sst s10  }
0x38: {  	s10 =	sld [smem:$0x3FB0]  }
0x39: {  	_ = 	snop;
	(pc) =	sbr.ind lr, $3  }
0x3a: {  	_ = 	snop  }
0x3b: {  	_ = 	snop  }
0x3c: {  	p2 =	seq.s32 s10, $0x1;
	s10 =	sld [smem:$0x3FAF]  }
0x3d: {  	_ =	shalt  }
0x3e: {  	_ =	shalt  }
0x3f: {  	_ =	shalt  }
0x40: {  	_ =	shalt  }
0x41: {  	_ =	shalt  }
0x42: {  	_ =	shalt  }
0x43: {  	_ =	shalt  }
0x44: {  	_ =	shalt  }
0x45: {  	_ =	shalt  }
0x46: {  	_ =	shalt  }
0x47: {  	_ =	shalt  }
0x48: {  	_ =	shalt  }
0x49: {  	_ =	shalt  }
0x4a: {  	_ =	shalt  }
0x4b: {  	_ =	shalt  }
0x4c: {  	_ =	shalt  }
0x4d: {  	_ =	shalt  }
0x4e: {  	_ =	shalt  }
0x4f: {  	_ =	shalt  }
0x50: {  	_ =	shalt  }
0x51: {  	_ =	shalt  }
0x52: {  	_ =	shalt  }
0x53: {  	_ =	shalt  }
0x54: {  	_ =	shalt  }
0x55: {  	_ =	shalt  }
0x56: {  	_ =	shalt  }
0x57: {  	_ =	shalt  }
0x58: {  	_ =	shalt  }
0x59: {  	_ =	shalt  }
0x5a: {  	_ =	shalt  }
0x5b: {  	_ =	shalt  }
0x5c: {  	_ =	shalt  }
0x5d: {  	_ =	shalt  }
0x5e: {  	_ =	shalt  }
0x5f: {  	_ =	shalt  }
0x60: {  	_ =	shalt  }
0x61: {  	_ =	shalt  }
0x62: {  	_ =	shalt  }
0x63: {  	_ =	shalt  }
0x64: {  	_ =	shalt  }
0x65: {  	_ =	shalt  }
0x66: {  	_ =	shalt  }
0x67: {  	_ =	shalt  }
0x68: {  	_ =	shalt  }
0x69: {  	_ =	shalt  }
0x6a: {  	_ =	shalt  }
0x6b: {  	_ =	shalt  }
0x6c: {  	_ =	shalt  }
0x6d: {  	_ =	shalt  }
0x6e: {  	_ =	shalt  }
0x6f: {  	_ =	shalt  }
0x70: {  	_ =	shalt  }
0x71: {  	_ =	shalt  }
0x72: {  	_ =	shalt  }
0x73: {  	_ =	shalt  }
0x74: {  	_ =	shalt  }
0x75: {  	_ =	shalt  }
0x76: {  	_ =	shalt  }
0x77: {  	_ =	shalt  }
0x78: {  	_ =	shalt  }
0x79: {  	_ =	shalt  }
0x7a: {  	_ =	shalt  }
0x7b: {  	_ =	shalt  }
0x7c: {  	_ =	shalt  }
0x7d: {  	_ =	shalt  }
0x7e: {  	_ =	shalt  }
0x7f: {  	_ =	shalt  }
0x80: {  	_ =	shalt  }
0x81: {  	_ =	shalt  }
0x82: {  	_ =	shalt  }
0x83: {  	_ =	shalt  }
0x84: {  	_ =	shalt  }
0x85: {  	_ =	shalt  }
0x86: {  	_ =	shalt  }
0x87: {  	_ =	shalt  }
.Lfunc_end0:
.L_simem_size_0:
called_computation.1_lowered:
.L_overlay_start_0:
0x88: {  	s2 =	sld [smem:$0x3FD9]  }
0x89: {  	s3 =	sld [smem:$0x3FFE];
	_ =	sdelay $0x1  }
0x8a: {  	s1 =	srdreg.scid  }
0x8b: {  	s0 =	sand.u32 $0x1, s1  }
0x8c: {  	s16 =	sshll.u32 s0, $0xA;
	s2 =	sadd.s32 s3, s2  }
0x8d: {  	s2 =	sadd.s32 s2, s16  }
0x8e: {  	[smem:$0x3FBB] =	sst s2  }
0x8f: {  	_ = 	snop  }
0x90: {  	(tm) =	ssettm $0x1  }
0x91: {  	s17 =	sld [smem:$0x3FFB];
	_ =	sdelay $0x3  }
0x92: {  	_ =	strace s17  }
0x93: {  	s2 =	sld [smem:$0x3FFC];
	_ =	sdelay $0x3  }
0x94: {  	_ =	strace s2  }
0x95: {  	s2 =	sld [smem:$0x3FFD];
	_ =	sdelay $0x3  }
0x96: {  	_ =	strace s2  }
0x97: {  	_ =	strace $0x8FFFFFFF  }
0x98: {  	s18 =	sld [smem:$0x3FDB];
	_ =	sdelay $0x1  }
0x99: {  	s19 =	simm.s32 $_scs_section_size  }
0x9a: {  	s4 =	simm.s32 $_size__tile_overlayer_lowered;
	s5 =	simm.s32 $_tile_overlayer_lowered  }
0x9b: {  	s22 =	simm.s32 $0x1BFF;
	s21 =	sshll.u32 s5, $0x1;
	s2 =	sadd.s32 s19, s18  }
0x9c: {  	s6 =	simm.s32 $0x0;
	s20 =	sshll.u32 s4, $0x1;
	s4 =	sadd.s32 s21, s2  }
0x9d: {  	[timem:s6], [sflag:s22] =	dma.local [hbm:s4], s20  }
0x9e: {  	_ =	swait.ge [sflag:s22], s20  }
0x9f: {  	s3 =	ssub.s32 $0x0, s20;
	[sflag:s22] =	ssyncset.done $0x0  }
0xa0: {  	[sflag:s22] =	ssyncadd.s32 s3;
	_ =	sdelay $0x1  }
0xa1: {  	s23 =	simm.s32 $0x1B8B  }
0xa2: {  	_ =	swait.ge [sflag:s23], $0x1  }
0xa3: {  	[sflag:s23] =	ssyncset.done $0x0  }
0xa4: {  	s25 =	simm.s32 $0x1B8E;
	s24 =	sld [smem:$0x3FFE];
	[sflag:s23] =	ssyncadd.s32 $0xFFFFFFFF  }
0xa5: {  	s26 =	simm.s32 $execute0_lowered;
	[smem:$0x3FD2] =	sst s25  }
0xa6: {  	s4 =	sshll.u32 s26, $0x1;
	_ =	strace $0x80000049;
	[dreg:$0x1] =	wrdreg $0xFFFFFFFF  }
0xa7: {  	s28 =	simm.s32 $_size_execute0_lowered;
	s2 =	sadd.s32 s2, s4;
	[dreg:$0x0] =	wrdreg $0x0  }
0xa8: {  	s4 =	sshll.u32 s28, $0x1;
	[dreg:$0x2] =	wrdreg s2  }
0xa9: {  	[dreg:$0x3] =	wrdreg s4  }
0xaa: {  	[dreg:$0x4] =	wrdreg $0xC0  }
0xab: {  	_ =	task [dreg:s6], $0x5FFFF  }
0xac: {  	[dreg:$0x1] =	wrdreg $0xFFFFFFFF  }
0xad: {  	[dreg:$0x0] =	wrdreg $0x60  }
0xae: {  	[dreg:$0x2] =	wrdreg s24  }
0xaf: {  	[dreg:$0x3] =	wrdreg $0x70000  }
0xb0: {  	[dreg:$0x4] =	wrdreg $0x9  }
0xb1: {  	_ =	task.clear_ibuf [dreg:s6], $0x5FFFF;
	_ =	strace $0x90000049  }
0xb2: {  	s29 =	simm.s32 $0x9;
	_ =	strace $0x8000004B  }
0xb3: {  	_ =	swait.ge [sflag:s29], $0x1  }
0xb4: {  	[sflag:s29] =	ssyncadd.s32 $0xFFFFFFFF  }
0xb5: {  	_ =	strace $0x9000004B  }
0xb6: {  	_ =	sfence  }
0xb7: {  	s30 =	sld [smem:$0x0];
	_ =	sdelay $0x2  }
0xb8: {  	s31 =	sshll.u32 s1, $0xD;
	s1 =	sshrl.u32 s1, $0x2  }
0xb9: {  	s3 =	sand.u32 $0x4000, s31;
	s1 =	sadd.s32 s1, s30  }
0xba: {  	s0 =	sor.u32 s3, s0;
	s1 =	sshll.u32 s1, $0x11  }
0xbb: {  	s0 =	sor.u32 s1, s0  }
0xbc: {  	s0 =	sadd.s32 $0x8F2B, s0  }
0xbd: {  	[sflag:s0] =	ssyncadd.remote.s32 $0x1  }
0xbe: {  	_ =	sfence.sel $0xFFFF  }
0xbf: {  	[dreg:$0x0] =	wrdreg $0xFFFFFFFF;
	(pc) =	sbr.abs _section_cstart, $3  }
0xc0: {  	[dreg:$0x1] =	wrdreg $0xFFFFFFFF  }
0xc1: {  	_ =	task.clear_ibuf [dreg:s6], $0x2FFFF;
	_ =	strace $0x9FFFFFFF  }
0xc2: {  	(tm) =	ssettm $0x7FFFFFFF  }
0xc3: {  	_ =	shalt  }
tec
execute0_lowered:
.L_overlay_start_1:
0x0: {  	(tag) =	ssettag $0x1  }
0x1: {  	s0 =	srdreg.scid;
	s6 =	rddreg [dreg:$0x0]  }
0x2: {  	s2 =	rddreg [dreg:$0x1];
	s3 =	simm.s32 $0x0;
	s15 =	simm.s32 $0x2  }
0x3: {  	s16 =	simm.s32 $0x2800;
	s17 =	simm.s32 $0x5000;
	s18 =	simm.s32 $0x80  }
0x4: {  	s19 =	simm.s32 $0x1;
	s5 =	sand.u32 $0x1, s0;
	s0 =	stileid.u32  }
0x5: {  	s22 =	simm.s32 $0x0;
	[smem:$0x7FF] =	sst s3;
	s8 =	smul.u32 $0xA000, s0  }
0x6: {  	s4 =	sadd.s32 $0x20A00, s6;
	s1 =	sshll.u32 s5, $0x4;
	s9 =	smul.u32 $0xA0000, s5  }
0x7: {  	s10 =	ssub.s32 $0x2, s5;
	s11 =	smul.u32 $0x28000, s0;
	s5 =	sadd.s32 $0xC800, s6  }
0x8: {  	s20 =	sshll.u32 s0, $0x6;
	s1 =	sor.u32 s0, s1;
	s30 =	sshrl.u32 s10, $0x1  }
0x9: {  	s20 =	sor.u32 $0x1C02, s20;
	s7 =	smul.u32 $0x500, s1;
	s1 =	rddreg [dreg:$0x2]  }
0xa: {  	_ =	strace $0x8000004A;
	s9 =	sadd.s32 s8, s9;
	s14 =	ssub.s32 s10, s30  }
0xb: {  	s31 =	sshrl.u32 s11, $0x2;
	s8 =	sadd.s32 s8, s2;
	s9 =	sshrl.u32 s9, $0x3  }
0xc: {  	s12 =	sadd.s32 s31, s2;
	s14 =	smax.u32 s14, $0x1;
	s21 =	sshrl.u32 s8, $0x3  }
0xd: {  	s7 =	sadd.s32 s7, s6;
	s13 =	sadd.s32 s9, s6;
	s9 =	sadd.s32 $0x2000, s12  }
0xe: {  	s10 =	sadd.s32 $0x4000, s12;
	s11 =	sadd.s32 $0x6000, s12;
	s12 =	sadd.s32 $0x8000, s12  }
0xf: {  	s6 =	sadd.s32 $0x16A00, s7;
	s7 =	sadd.s32 $0x2800, s7;
	s13 =	sadd.s32 $0x34400, s13  }
.LBB2_1:
0x10: {  	[tilespmem:s3], [sflag:$0x2] =	stream.linear.gather [hbm4b:s6+s3], $0x2800, $0x38;
	[tilespmem:$0x11000] =	vst v63  }
0x11: {  	_ =	swait.ge [sflag:s15], $0x2800  }
0x12: {  	[sflag:s15] =	ssyncset.done $0x0  }
0x13: {  	[sflag:s15] =	ssyncadd.s32 $0xFFFFD800  }
0x14: {  	[tilespmem:s16], [sflag:$0x2] =	stream.linear.gather [hbm4b:s7+s3], $0x2800, $0x38;
	[tilespmem:$0x11000] =	vst v63  }
0x15: {  	_ =	swait.ge [sflag:s15], $0x2800  }
0x16: {  	[sflag:s15] =	ssyncset.done $0x0  }
0x17: {  	[sflag:s15] =	ssyncadd.s32 $0xFFFFD800  }
0x18: {  	[tilespmem:s17], [sflag:$0x2] =	stream.linear.gather [hbm4b:s5+s3], $0x2000, $0x38;
	[tilespmem:$0x11000] =	vst v63  }
0x19: {  	_ =	swait.ge [sflag:s15], $0x2000  }
0x1a: {  	[sflag:s15] =	ssyncset.done $0x0  }
0x1b: {  	[sflag:s15] =	ssyncadd.s32 $0xFFFFE000  }
0x1c: {  	[spmem:s8] =	stream.linear.scatter [tilespmem:s17], [sflag:$0x2], $0x2000, $0x38;
	[tilespmem:$0x11000] =	vst v63  }
0x1d: {  	_ =	swait.ge [sflag:s15], $0x2000  }
0x1e: {  	[sflag:s15] =	ssyncset.done $0x0  }
0x1f: {  	[sflag:s15] =	ssyncadd.s32 $0xFFFFE000  }
0x20: {  	[spmem:s9] =	stream.linear.scatter [tilespmem:s17], [sflag:$0x2], $0x2000, $0x38;
	[tilespmem:$0x11000] =	vst v63  }
0x21: {  	_ =	swait.ge [sflag:s15], $0x2000  }
0x22: {  	[sflag:s15] =	ssyncset.done $0x0  }
0x23: {  	[sflag:s15] =	ssyncadd.s32 $0xFFFFE000  }
0x24: {  	[spmem:s10] =	stream.linear.scatter [tilespmem:s17], [sflag:$0x2], $0x2000, $0x38;
	[tilespmem:$0x11000] =	vst v63  }
0x25: {  	_ =	swait.ge [sflag:s15], $0x2000  }
0x26: {  	[sflag:s15] =	ssyncset.done $0x0  }
0x27: {  	[sflag:s15] =	ssyncadd.s32 $0xFFFFE000  }
0x28: {  	[spmem:s11] =	stream.linear.scatter [tilespmem:s17], [sflag:$0x2], $0x2000, $0x38;
	[tilespmem:$0x11000] =	vst v63  }
0x29: {  	_ =	swait.ge [sflag:s15], $0x2000  }
0x2a: {  	[sflag:s15] =	ssyncset.done $0x0  }
0x2b: {  	[sflag:s15] =	ssyncadd.s32 $0xFFFFE000  }
0x2c: {  	[spmem:s12] =	stream.linear.scatter [tilespmem:s17], [sflag:$0x2], $0x2000, $0x38;
	[tilespmem:$0x11000] =	vst v63  }
0x2d: {  	_ =	swait.ge [sflag:s15], $0x2000  }
0x2e: {  	[sflag:s15] =	ssyncset.done $0x0  }
0x2f: {  	[sflag:s15] =	ssyncadd.s32 $0xFFFFE000  }
0x30: {  	s23 =	simm.s32 $0x0;
	[bflag:$0x0] =	sbarrier.arrive $0xFFFF  }
0x31: {  	[tilespmem:s17], [sflag:$0x1] =	stream.indirect.gather [hbm4b:s4+s18], $0x40, s23, s18, $0xb8;
	[tilespmem:$0x11000] =	vst v63  }
0x32: {  	_ =	swait.ge [sflag:s19], $0x2000  }
0x33: {  	[sflag:s19] =	ssyncset.done $0x0  }
0x34: {  	s31 =	simm.s32 $0x2800;
	[sflag:s19] =	ssyncadd.s32 $0xFFFFE000  }
0x35: {  	[spmem:s2] =	stream.indirect.scatter.add.f32 [tilespmem:s17], [sflag:$0x2], $0x40, s31, s18, $0xb8;
	[tilespmem:$0x11000] =	vst v63  }
0x36: {  	_ =	swait.ge [sflag:s15], $0x2000  }
0x37: {  	s24 =	simm.s32 $0x400;
	s23 =	simm.s32 $0x200;
	[sflag:s15] =	ssyncset.done $0x0  }
.LBB2_2:
0x38: {  	s25 =	sshra.s32 s23, $0x2  }
0x39: {  	[sflag:s15] =	ssyncadd.s32 $0xFFFFE000;
	s23 =	smov.u32 s24;
	s26 =	sadd.s32 $0x200, s24  }
0x3a: {  	[tilespmem:s17], [sflag:$0x1] =	stream.indirect.gather [hbm4b:s4+s18], $0x40, s25, s18, $0xb8;
	[tilespmem:$0x11000] =	vst v63  }
0x3b: {  	p0 =	sne.s32 s24, $0x9E00;
	_ =	swait.ge [sflag:s19], $0x2000  }
.Ltmp0:
0x3c: {  	[sflag:s19] =	ssyncset.done $0x0;
	(pc) =	sbr.rel @p0 .LBB2_2-.Ltmp0, $4  }
0x3d: {  	s24 =	sadd.s32 $0x2800, s25;
	[sflag:s19] =	ssyncadd.s32 $0xFFFFE000  }
0x3e: {  	[spmem:s2] =	stream.indirect.scatter.add.f32 [tilespmem:s17], [sflag:$0x2], $0x40, s24, s18, $0xb8;
	[tilespmem:$0x11000] =	vst v63  }
0x3f: {  	_ =	swait.ge [sflag:s15], $0x2000  }
0x40: {  	s24 =	smov.u32 s26;
	[sflag:s15] =	ssyncset.done $0x0  }
0x41: {  	s23 =	sshra.s32 s23, $0x2;
	[sflag:s15] =	ssyncadd.s32 $0xFFFFE000  }
0x42: {  	[tilespmem:s17], [sflag:$0x1] =	stream.indirect.gather [hbm4b:s4+s18], $0x40, s23, s18, $0xb8;
	[tilespmem:$0x11000] =	vst v63  }
0x43: {  	_ =	swait.ge [sflag:s19], $0x2000  }
0x44: {  	[sflag:s19] =	ssyncset.done $0x0  }
0x45: {  	s23 =	sadd.s32 $0x2800, s23;
	[sflag:s19] =	ssyncadd.s32 $0xFFFFE000  }
0x46: {  	[spmem:s2] =	stream.indirect.scatter.add.f32 [tilespmem:s17], [sflag:$0x2], $0x40, s23, s18, $0xb8;
	[tilespmem:$0x11000] =	vst v63  }
0x47: {  	_ =	swait.ge [sflag:s15], $0x2000  }
0x48: {  	s22 =	sadd.s32 $0x1, s22;
	[sflag:s15] =	ssyncset.done $0x0  }
0x49: {  	p0 =	sne.s32 s22, s14;
	[sflag:s15] =	ssyncadd.s32 $0xFFFFE000  }
.Ltmp1:
0x4a: {  	[bflag:$0x0] =	sbarrier.arrive $0xFFFF;
	(pc) =	sbr.rel @p0 .LBB2_1-.Ltmp1, $4  }
0x4b: {  	[hbm:s13], [sflag:s20] =	dma.local [spmem:s21], $0x1400  }
0x4c: {  	_ =	swait.ge [sflag:s15], $0x1400  }
0x4d: {  	[sflag:s15] =	ssyncset.done $0x0  }
0x4e: {  	[sflag:s15] =	ssyncadd.s32 $0xFFFFEC00  }
0x4f: {  	_ =	sfence.sel $0x180000  }
0x50: {  	[bflag:$0x0] =	sbarrier.arrive $0xFFFF  }
0x51: {  	p0 =	sne.s32 s0, $0x0;
	_ =	strace $0x9000004A  }
0x52: {  	s0 =	sadd.s32 @!p0 $0x100000, s1;
	[bflag:$0x2] =	sbarrier.arrive $0xFFFF  }
0x53: {  	[sflag:s0] =	ssyncadd.tile.s32 @!p0 $0x1;
	_ =	shalt  }
.Lfunc_end2:
_tile_overlayer_lowered:
.L_overlay_start_2:
0x54: {  	(tag) =	ssettag $0x2  }
0x55: {  	s0 =	rddreg [dreg:$0x0];
	s2 =	stileid.u32  }
0x56: {  	s1 =	rddreg [dreg:$0x1];
	p0 =	sne.s32 s2, $0x0  }
0x57: {  	s3 =	rddreg [dreg:$0x2];
	[bflag:$0x3] =	sbarrier.arrive $0xFFFF;
	s2 =	simm.s32 @!p0 $0x1C02  }
0x58: {  	[timem:s3], [sflag:s2] =	dma.local @!p0 [hbm:s0], s1  }
0x59: {  	s0 =	simm.s32 @!p0 $0x2  }
0x5a: {  	_ =	swait.ge @!p0 [sflag:s0], s1  }
0x5b: {  	s1 =	ssub.s32 @!p0 $0x0, s1;
	[sflag:s0] =	ssyncset.done @!p0 $0x0  }
0x5c: {  	[sflag:s0] =	ssyncadd.s32 @!p0 s1  }
0x5d: {  	[bflag:$0x3] =	sbarrier.arrive $0xFFFF  }
0x5e: {  	_ =	shalt  }

// kernel: kernel.16.cloned.1.call-start
scs
__scs_entry_jumppad:
0x0: {  	(pc) =	sbr.rel $0x88, $3  }
0x1: {  	(tag) =	ssettag $0x0;
	lr =	simm.s32 $0x1  }
0x2: {  	[smem:$0x3F94] =	sst lr;
	_ =	strace $0xD0000000  }
0x3: {  	_ = 	snop  }
0x4: {  	_ = 	snop  }
0x5: {  	_ = 	snop  }
0x6: {  	_ = 	snop  }
0x7: {  	_ = 	snop  }
__scs_overlays_trampoline_lowered:
0x8: {  	[smem:$0x3FA3] =	sst s0  }
0x9: {  	[smem:$0x3FA4] =	sst s1  }
0xa: {  	[smem:$0x3FA5] =	sst s2  }
0xb: {  	[smem:$0x3FA6] =	sst s3  }
0xc: {  	[smem:$0x3FA7] =	sst s4  }
0xd: {  	[smem:$0x3FA8] =	sst s5  }
0xe: {  	[smem:$0x3FA9] =	sst s6  }
0xf: {  	[smem:$0x3FAA] =	sst s7  }
0x10: {  	[smem:$0x3FAB] =	sst s8  }
0x11: {  	[smem:$0x3FAC] =	sst s9;
	s0 =	simm.s32 @!p0 $0x0  }
0x12: {  	s1 =	sld [smem:$0x3F92];
	s0 =	simm.s32 @p0 $0x1  }
0x13: {  	[smem:$0x3FAD] =	sst s0;
	s0 =	simm.s32 @!p1 $0x0  }
0x14: {  	s2 =	sld [smem:$0x3F91];
	s0 =	simm.s32 @p1 $0x1  }
0x15: {  	[smem:$0x3FAE] =	sst s0;
	s0 =	simm.s32 @!p2 $0x0  }
0x16: {  	s3 =	sld [smem:$0x3FDB];
	s0 =	simm.s32 @p2 $0x1  }
0x17: {  	s4 =	simm.s32 $0x1BF5;
	[smem:$0x3FB0] =	sst s0  }
0x18: {  	s0 =	sld [smem:$0x3F93];
	_ =	swait.ge [sflag:s4], $0x0  }
0x19: {  	s7 =	sld [smem:$0x3F94]  }
0x1a: {  	s8 =	sadd.s32 $0xFFFFE003, lr  }
0x1b: {  	s9 =	sadd.s32 $0xFFFFFEF7, lr;
	s5 =	simm.s32 $0xFFFFFFFF;
	p2 =	slt.u32 s8, $0xFFFFF086  }
0x1c: {  	p1 =	slt.u32 s9, $0xF7A;
	s5 =	simm.s32 @!p2 $0x0  }
0x1d: {  	s5 =	simm.s32 @p1 $0x1;
	p0 =	seq.s32 s7, s2  }
0x1e: {  	s7 =	smul.u32 @!p0 $0xF7A, s2;
	p2 =	seq.s32 @!p0 s5, $0x0  }
0x1f: {  	s9 =	smul.u32 $0xF7A, s1;
	s8 =	simm.s32 @!p0 $0x1BF5;
	p2 =	por !p2, p0  }
0x20: {  	[sflag:s8] =	ssyncset.s32 @!p0 $0xFFFFF086;
	s6 =	sadd.s32 @!p0 s3, s7;
	s7 =	simm.s32 @!p0 $0x108  }
0x21: {  	s3 =	sadd.s32 s3, s9;
	s6 =	sadd.s32 @!p0 $0x88, s6;
	s7 =	simm.s32 @p2 $0x1082  }
0x22: {  	[simem:s7], [sflag:s8] =	dma.local @!p0 [hbm:s6], $0xF7A  }
0x23: {  	s9 =	sor.u32 $0xD0000000, s2;
	s6 =	simm.s32 $0x108;
	_ =	swait.ge @!p0 [sflag:s8], $0x0  }
0x24: {  	s3 =	sadd.s32 $0x88, s3;
	s6 =	simm.s32 @!p1 $0x1082;
	[sflag:s4] =	ssyncset.s32 $0xFFFFF086  }
0x25: {  	[simem:s6], [sflag:s4] =	dma.local [hbm:s3], $0xF7A  }
0x26: {  	[smem:$0x3F94] =	sst s1;
	(tag) =	ssettag s2;
	_ =	strace s9  }
0x27: {  	s1 =	sld [smem:$0x3FA4]  }
0x28: {  	s2 =	sld [smem:$0x3FA5]  }
0x29: {  	s4 =	sld [smem:$0x3FA7]  }
0x2a: {  	p0 =	seq.s32 s5, $0x0;
	s5 =	sld [smem:$0x3FA8]  }
0x2b: {  	s6 =	sld [smem:$0x3FA9]  }
0x2c: {  	s7 =	sld [smem:$0x3FAA]  }
0x2d: {  	s3 =	simm.s32 $0x108;
	s8 =	sld [smem:$0x3FAB]  }
0x2e: {  	s3 =	simm.s32 @!p0 $0x1082;
	s9 =	sld [smem:$0x3FAC]  }
0x2f: {  	lr =	sadd.s32 s0, s3;
	s0 =	sld [smem:$0x3FA3]  }
0x30: {  	s3 =	sld [smem:$0x3FA6]  }
0x31: {  	[smem:$0x3FAF] =	sst s10  }
0x32: {  	s10 =	sld [smem:$0x3FAD];
	_ =	sdelay $0x3  }
0x33: {  	p0 =	seq.s32 s10, $0x1;
	s10 =	sld [smem:$0x3FAF];
	_ =	sdelay $0x3  }
0x34: {  	[smem:$0x3FAF] =	sst s10  }
0x35: {  	s10 =	sld [smem:$0x3FAE];
	_ =	sdelay $0x3  }
0x36: {  	p1 =	seq.s32 s10, $0x1;
	s10 =	sld [smem:$0x3FAF];
	_ =	sdelay $0x3  }
0x37: {  	[smem:$0x3FAF] =	sst s10  }
0x38: {  	s10 =	sld [smem:$0x3FB0]  }
0x39: {  	_ = 	snop;
	(pc) =	sbr.ind lr, $3  }
0x3a: {  	_ = 	snop  }
0x3b: {  	_ = 	snop  }
0x3c: {  	p2 =	seq.s32 s10, $0x1;
	s10 =	sld [smem:$0x3FAF]  }
0x3d: {  	_ =	shalt  }
0x3e: {  	_ =	shalt  }
0x3f: {  	_ =	shalt  }
0x40: {  	_ =	shalt  }
0x41: {  	_ =	shalt  }
0x42: {  	_ =	shalt  }
0x43: {  	_ =	shalt  }
0x44: {  	_ =	shalt  }
0x45: {  	_ =	shalt  }
0x46: {  	_ =	shalt  }
0x47: {  	_ =	shalt  }
0x48: {  	_ =	shalt  }
0x49: {  	_ =	shalt  }
0x4a: {  	_ =	shalt  }
0x4b: {  	_ =	shalt  }
0x4c: {  	_ =	shalt  }
0x4d: {  	_ =	shalt  }
0x4e: {  	_ =	shalt  }
0x4f: {  	_ =	shalt  }
0x50: {  	_ =	shalt  }
0x51: {  	_ =	shalt  }
0x52: {  	_ =	shalt  }
0x53: {  	_ =	shalt  }
0x54: {  	_ =	shalt  }
0x55: {  	_ =	shalt  }
0x56: {  	_ =	shalt  }
0x57: {  	_ =	shalt  }
0x58: {  	_ =	shalt  }
0x59: {  	_ =	shalt  }
0x5a: {  	_ =	shalt  }
0x5b: {  	_ =	shalt  }
0x5c: {  	_ =	shalt  }
0x5d: {  	_ =	shalt  }
0x5e: {  	_ =	shalt  }
0x5f: {  	_ =	shalt  }
0x60: {  	_ =	shalt  }
0x61: {  	_ =	shalt  }
0x62: {  	_ =	shalt  }
0x63: {  	_ =	shalt  }
0x64: {  	_ =	shalt  }
0x65: {  	_ =	shalt  }
0x66: {  	_ =	shalt  }
0x67: {  	_ =	shalt  }
0x68: {  	_ =	shalt  }
0x69: {  	_ =	shalt  }
0x6a: {  	_ =	shalt  }
0x6b: {  	_ =	shalt  }
0x6c: {  	_ =	shalt  }
0x6d: {  	_ =	shalt  }
0x6e: {  	_ =	shalt  }
0x6f: {  	_ =	shalt  }
0x70: {  	_ =	shalt  }
0x71: {  	_ =	shalt  }
0x72: {  	_ =	shalt  }
0x73: {  	_ =	shalt  }
0x74: {  	_ =	shalt  }
0x75: {  	_ =	shalt  }
0x76: {  	_ =	shalt  }
0x77: {  	_ =	shalt  }
0x78: {  	_ =	shalt  }
0x79: {  	_ =	shalt  }
0x7a: {  	_ =	shalt  }
0x7b: {  	_ =	shalt  }
0x7c: {  	_ =	shalt  }
0x7d: {  	_ =	shalt  }
0x7e: {  	_ =	shalt  }
0x7f: {  	_ =	shalt  }
0x80: {  	_ =	shalt  }
0x81: {  	_ =	shalt  }
0x82: {  	_ =	shalt  }
0x83: {  	_ =	shalt  }
0x84: {  	_ =	shalt  }
0x85: {  	_ =	shalt  }
0x86: {  	_ =	shalt  }
0x87: {  	_ =	shalt  }
.Lfunc_end0:
.L_simem_size_0:
called_computation.2_lowered:
.L_overlay_start_0:
0x88: {  	s2 =	sld [smem:$0x3FD9]  }
0x89: {  	s3 =	sld [smem:$0x3FFE];
	_ =	sdelay $0x1  }
0x8a: {  	s1 =	srdreg.scid  }
0x8b: {  	s0 =	sand.u32 $0x1, s1  }
0x8c: {  	s16 =	sshll.u32 s0, $0xA;
	s2 =	sadd.s32 s3, s2  }
0x8d: {  	s2 =	sadd.s32 s2, s16  }
0x8e: {  	[smem:$0x3FBB] =	sst s2  }
0x8f: {  	_ = 	snop  }
0x90: {  	(tm) =	ssettm $0x1  }
0x91: {  	s17 =	sld [smem:$0x3FFB];
	_ =	sdelay $0x3  }
0x92: {  	_ =	strace s17  }
0x93: {  	s2 =	sld [smem:$0x3FFC];
	_ =	sdelay $0x3  }
0x94: {  	_ =	strace s2  }
0x95: {  	s2 =	sld [smem:$0x3FFD];
	_ =	sdelay $0x3  }
0x96: {  	_ =	strace s2  }
0x97: {  	_ =	strace $0x8FFFFFFF  }
0x98: {  	s18 =	sld [smem:$0x3FDB];
	_ =	sdelay $0x1  }
0x99: {  	s19 =	simm.s32 $_scs_section_size  }
0x9a: {  	s4 =	simm.s32 $_size__tile_overlayer_lowered;
	s5 =	simm.s32 $_tile_overlayer_lowered  }
0x9b: {  	s22 =	simm.s32 $0x1BFF;
	s21 =	sshll.u32 s5, $0x1;
	s2 =	sadd.s32 s19, s18  }
0x9c: {  	s6 =	simm.s32 $0x0;
	s20 =	sshll.u32 s4, $0x1;
	s4 =	sadd.s32 s21, s2  }
0x9d: {  	[timem:s6], [sflag:s22] =	dma.local [hbm:s4], s20  }
0x9e: {  	_ =	swait.ge [sflag:s22], s20  }
0x9f: {  	s3 =	ssub.s32 $0x0, s20;
	[sflag:s22] =	ssyncset.done $0x0  }
0xa0: {  	[sflag:s22] =	ssyncadd.s32 s3;
	_ =	sdelay $0x1  }
0xa1: {  	s23 =	simm.s32 $0x1B8B  }
0xa2: {  	_ =	swait.ge [sflag:s23], $0x1  }
0xa3: {  	[sflag:s23] =	ssyncset.done $0x0  }
0xa4: {  	s25 =	simm.s32 $0x1B8E;
	s24 =	sld [smem:$0x3FFE];
	[sflag:s23] =	ssyncadd.s32 $0xFFFFFFFF  }
0xa5: {  	s26 =	simm.s32 $execute0_lowered;
	[smem:$0x3FD2] =	sst s25  }
0xa6: {  	s4 =	sshll.u32 s26, $0x1;
	_ =	strace $0x8000004C;
	[dreg:$0x1] =	wrdreg $0xFFFFFFFF  }
0xa7: {  	s28 =	simm.s32 $_size_execute0_lowered;
	s2 =	sadd.s32 s2, s4;
	[dreg:$0x0] =	wrdreg $0x0  }
0xa8: {  	s4 =	sshll.u32 s28, $0x1;
	[dreg:$0x2] =	wrdreg s2  }
0xa9: {  	[dreg:$0x3] =	wrdreg s4  }
0xaa: {  	[dreg:$0x4] =	wrdreg $0xC0  }
0xab: {  	_ =	task [dreg:s6], $0x5FFFF  }
0xac: {  	[dreg:$0x1] =	wrdreg $0xFFFFFFFF  }
0xad: {  	[dreg:$0x0] =	wrdreg $0x60  }
0xae: {  	[dreg:$0x2] =	wrdreg s24  }
0xaf: {  	[dreg:$0x3] =	wrdreg $0x70000  }
0xb0: {  	[dreg:$0x4] =	wrdreg $0x9  }
0xb1: {  	_ =	task.clear_ibuf [dreg:s6], $0x5FFFF;
	_ =	strace $0x9000004C  }
0xb2: {  	s29 =	simm.s32 $0x9;
	_ =	strace $0x8000004E  }
0xb3: {  	_ =	swait.ge [sflag:s29], $0x1  }
0xb4: {  	[sflag:s29] =	ssyncadd.s32 $0xFFFFFFFF  }
0xb5: {  	_ =	strace $0x9000004E  }
0xb6: {  	_ =	sfence  }
0xb7: {  	s30 =	sld [smem:$0x0];
	_ =	sdelay $0x2  }
0xb8: {  	s31 =	sshll.u32 s1, $0xD;
	s1 =	sshrl.u32 s1, $0x2  }
0xb9: {  	s3 =	sand.u32 $0x4000, s31;
	s1 =	sadd.s32 s1, s30  }
0xba: {  	s0 =	sor.u32 s3, s0;
	s1 =	sshll.u32 s1, $0x11  }
0xbb: {  	s0 =	sor.u32 s1, s0  }
0xbc: {  	s0 =	sadd.s32 $0x8F2B, s0  }
0xbd: {  	[sflag:s0] =	ssyncadd.remote.s32 $0x1  }
0xbe: {  	_ =	sfence.sel $0xFFFF  }
0xbf: {  	[dreg:$0x0] =	wrdreg $0xFFFFFFFF;
	(pc) =	sbr.abs _section_cstart, $3  }
0xc0: {  	[dreg:$0x1] =	wrdreg $0xFFFFFFFF  }
0xc1: {  	_ =	task.clear_ibuf [dreg:s6], $0x2FFFF;
	_ =	strace $0x9FFFFFFF  }
0xc2: {  	(tm) =	ssettm $0x7FFFFFFF  }
0xc3: {  	_ =	shalt  }
tec
execute0_lowered:
.L_overlay_start_1:
0x0: {  	(tag) =	ssettag $0x1  }
0x1: {  	s0 =	srdreg.scid;
	s6 =	rddreg [dreg:$0x0]  }
0x2: {  	s2 =	rddreg [dreg:$0x1];
	s3 =	simm.s32 $0x0;
	s15 =	simm.s32 $0x2  }
0x3: {  	s16 =	simm.s32 $0x2800;
	s17 =	simm.s32 $0x5000;
	s18 =	simm.s32 $0x80  }
0x4: {  	s19 =	simm.s32 $0x1;
	s5 =	sand.u32 $0x1, s0;
	s0 =	stileid.u32  }
0x5: {  	s22 =	simm.s32 $0x0;
	[smem:$0x7FF] =	sst s3;
	s8 =	smul.u32 $0xA000, s0  }
0x6: {  	s4 =	sadd.s32 $0x20A00, s6;
	s1 =	sshll.u32 s5, $0x4;
	s9 =	smul.u32 $0xA0000, s5  }
0x7: {  	s10 =	ssub.s32 $0x2, s5;
	s11 =	smul.u32 $0x28000, s0;
	s5 =	sadd.s32 $0xC800, s6  }
0x8: {  	s20 =	sshll.u32 s0, $0x6;
	s1 =	sor.u32 s0, s1;
	s30 =	sshrl.u32 s10, $0x1  }
0x9: {  	s20 =	sor.u32 $0x1C02, s20;
	s7 =	smul.u32 $0x500, s1;
	s1 =	rddreg [dreg:$0x2]  }
0xa: {  	_ =	strace $0x8000004D;
	s9 =	sadd.s32 s8, s9;
	s14 =	ssub.s32 s10, s30  }
0xb: {  	s31 =	sshrl.u32 s11, $0x2;
	s8 =	sadd.s32 s8, s2;
	s9 =	sshrl.u32 s9, $0x3  }
0xc: {  	s12 =	sadd.s32 s31, s2;
	s14 =	smax.u32 s14, $0x1;
	s21 =	sshrl.u32 s8, $0x3  }
0xd: {  	s7 =	sadd.s32 s7, s6;
	s13 =	sadd.s32 s9, s6;
	s9 =	sadd.s32 $0x2000, s12  }
0xe: {  	s10 =	sadd.s32 $0x4000, s12;
	s11 =	sadd.s32 $0x6000, s12;
	s12 =	sadd.s32 $0x8000, s12  }
0xf: {  	s6 =	sadd.s32 $0x16A00, s7;
	s7 =	sadd.s32 $0x2800, s7;
	s13 =	sadd.s32 $0x34400, s13  }
.LBB2_1:
0x10: {  	[tilespmem:s3], [sflag:$0x2] =	stream.linear.gather [hbm4b:s6+s3], $0x2800, $0x38;
	[tilespmem:$0x11000] =	vst v63  }
0x11: {  	_ =	swait.ge [sflag:s15], $0x2800  }
0x12: {  	[sflag:s15] =	ssyncset.done $0x0  }
0x13: {  	[sflag:s15] =	ssyncadd.s32 $0xFFFFD800  }
0x14: {  	[tilespmem:s16], [sflag:$0x2] =	stream.linear.gather [hbm4b:s7+s3], $0x2800, $0x38;
	[tilespmem:$0x11000] =	vst v63  }
0x15: {  	_ =	swait.ge [sflag:s15], $0x2800  }
0x16: {  	[sflag:s15] =	ssyncset.done $0x0  }
0x17: {  	[sflag:s15] =	ssyncadd.s32 $0xFFFFD800  }
0x18: {  	[tilespmem:s17], [sflag:$0x2] =	stream.linear.gather [hbm4b:s5+s3], $0x2000, $0x38;
	[tilespmem:$0x11000] =	vst v63  }
0x19: {  	_ =	swait.ge [sflag:s15], $0x2000  }
0x1a: {  	[sflag:s15] =	ssyncset.done $0x0  }
0x1b: {  	[sflag:s15] =	ssyncadd.s32 $0xFFFFE000  }
0x1c: {  	[spmem:s8] =	stream.linear.scatter [tilespmem:s17], [sflag:$0x2], $0x2000, $0x38;
	[tilespmem:$0x11000] =	vst v63  }
0x1d: {  	_ =	swait.ge [sflag:s15], $0x2000  }
0x1e: {  	[sflag:s15] =	ssyncset.done $0x0  }
0x1f: {  	[sflag:s15] =	ssyncadd.s32 $0xFFFFE000  }
0x20: {  	[spmem:s9] =	stream.linear.scatter [tilespmem:s17], [sflag:$0x2], $0x2000, $0x38;
	[tilespmem:$0x11000] =	vst v63  }
0x21: {  	_ =	swait.ge [sflag:s15], $0x2000  }
0x22: {  	[sflag:s15] =	ssyncset.done $0x0  }
0x23: {  	[sflag:s15] =	ssyncadd.s32 $0xFFFFE000  }
0x24: {  	[spmem:s10] =	stream.linear.scatter [tilespmem:s17], [sflag:$0x2], $0x2000, $0x38;
	[tilespmem:$0x11000] =	vst v63  }
0x25: {  	_ =	swait.ge [sflag:s15], $0x2000  }
0x26: {  	[sflag:s15] =	ssyncset.done $0x0  }
0x27: {  	[sflag:s15] =	ssyncadd.s32 $0xFFFFE000  }
0x28: {  	[spmem:s11] =	stream.linear.scatter [tilespmem:s17], [sflag:$0x2], $0x2000, $0x38;
	[tilespmem:$0x11000] =	vst v63  }
0x29: {  	_ =	swait.ge [sflag:s15], $0x2000  }
0x2a: {  	[sflag:s15] =	ssyncset.done $0x0  }
0x2b: {  	[sflag:s15] =	ssyncadd.s32 $0xFFFFE000  }
0x2c: {  	[spmem:s12] =	stream.linear.scatter [tilespmem:s17], [sflag:$0x2], $0x2000, $0x38;
	[tilespmem:$0x11000] =	vst v63  }
0x2d: {  	_ =	swait.ge [sflag:s15], $0x2000  }
0x2e: {  	[sflag:s15] =	ssyncset.done $0x0  }
0x2f: {  	[sflag:s15] =	ssyncadd.s32 $0xFFFFE000  }
0x30: {  	s23 =	simm.s32 $0x0;
	[bflag:$0x0] =	sbarrier.arrive $0xFFFF  }
0x31: {  	[tilespmem:s17], [sflag:$0x1] =	stream.indirect.gather [hbm4b:s4+s18], $0x40, s23, s18, $0xb8;
	[tilespmem:$0x11000] =	vst v63  }
0x32: {  	_ =	swait.ge [sflag:s19], $0x2000  }
0x33: {  	[sflag:s19] =	ssyncset.done $0x0  }
0x34: {  	s31 =	simm.s32 $0x2800;
	[sflag:s19] =	ssyncadd.s32 $0xFFFFE000  }
0x35: {  	[spmem:s2] =	stream.indirect.scatter.add.f32 [tilespmem:s17], [sflag:$0x2], $0x40, s31, s18, $0xb8;
	[tilespmem:$0x11000] =	vst v63  }
0x36: {  	_ =	swait.ge [sflag:s15], $0x2000  }
0x37: {  	s24 =	simm.s32 $0x400;
	s23 =	simm.s32 $0x200;
	[sflag:s15] =	ssyncset.done $0x0  }
.LBB2_2:
0x38: {  	s25 =	sshra.s32 s23, $0x2  }
0x39: {  	[sflag:s15] =	ssyncadd.s32 $0xFFFFE000;
	s23 =	smov.u32 s24;
	s26 =	sadd.s32 $0x200, s24  }
0x3a: {  	[tilespmem:s17], [sflag:$0x1] =	stream.indirect.gather [hbm4b:s4+s18], $0x40, s25, s18, $0xb8;
	[tilespmem:$0x11000] =	vst v63  }
0x3b: {  	p0 =	sne.s32 s24, $0x9E00;
	_ =	swait.ge [sflag:s19], $0x2000  }
.Ltmp0:
0x3c: {  	[sflag:s19] =	ssyncset.done $0x0;
	(pc) =	sbr.rel @p0 .LBB2_2-.Ltmp0, $4  }
0x3d: {  	s24 =	sadd.s32 $0x2800, s25;
	[sflag:s19] =	ssyncadd.s32 $0xFFFFE000  }
0x3e: {  	[spmem:s2] =	stream.indirect.scatter.add.f32 [tilespmem:s17], [sflag:$0x2], $0x40, s24, s18, $0xb8;
	[tilespmem:$0x11000] =	vst v63  }
0x3f: {  	_ =	swait.ge [sflag:s15], $0x2000  }
0x40: {  	s24 =	smov.u32 s26;
	[sflag:s15] =	ssyncset.done $0x0  }
0x41: {  	s23 =	sshra.s32 s23, $0x2;
	[sflag:s15] =	ssyncadd.s32 $0xFFFFE000  }
0x42: {  	[tilespmem:s17], [sflag:$0x1] =	stream.indirect.gather [hbm4b:s4+s18], $0x40, s23, s18, $0xb8;
	[tilespmem:$0x11000] =	vst v63  }
0x43: {  	_ =	swait.ge [sflag:s19], $0x2000  }
0x44: {  	[sflag:s19] =	ssyncset.done $0x0  }
0x45: {  	s23 =	sadd.s32 $0x2800, s23;
	[sflag:s19] =	ssyncadd.s32 $0xFFFFE000  }
0x46: {  	[spmem:s2] =	stream.indirect.scatter.add.f32 [tilespmem:s17], [sflag:$0x2], $0x40, s23, s18, $0xb8;
	[tilespmem:$0x11000] =	vst v63  }
0x47: {  	_ =	swait.ge [sflag:s15], $0x2000  }
0x48: {  	s22 =	sadd.s32 $0x1, s22;
	[sflag:s15] =	ssyncset.done $0x0  }
0x49: {  	p0 =	sne.s32 s22, s14;
	[sflag:s15] =	ssyncadd.s32 $0xFFFFE000  }
.Ltmp1:
0x4a: {  	[bflag:$0x0] =	sbarrier.arrive $0xFFFF;
	(pc) =	sbr.rel @p0 .LBB2_1-.Ltmp1, $4  }
0x4b: {  	[hbm:s13], [sflag:s20] =	dma.local [spmem:s21], $0x1400  }
0x4c: {  	_ =	swait.ge [sflag:s15], $0x1400  }
0x4d: {  	[sflag:s15] =	ssyncset.done $0x0  }
0x4e: {  	[sflag:s15] =	ssyncadd.s32 $0xFFFFEC00  }
0x4f: {  	_ =	sfence.sel $0x180000  }
0x50: {  	[bflag:$0x0] =	sbarrier.arrive $0xFFFF  }
0x51: {  	p0 =	sne.s32 s0, $0x0;
	_ =	strace $0x9000004D  }
0x52: {  	s0 =	sadd.s32 @!p0 $0x100000, s1;
	[bflag:$0x2] =	sbarrier.arrive $0xFFFF  }
0x53: {  	[sflag:s0] =	ssyncadd.tile.s32 @!p0 $0x1;
	_ =	shalt  }
.Lfunc_end2:
_tile_overlayer_lowered:
.L_overlay_start_2:
0x54: {  	(tag) =	ssettag $0x2  }
0x55: {  	s0 =	rddreg [dreg:$0x0];
	s2 =	stileid.u32  }
0x56: {  	s1 =	rddreg [dreg:$0x1];
	p0 =	sne.s32 s2, $0x0  }
0x57: {  	s3 =	rddreg [dreg:$0x2];
	[bflag:$0x3] =	sbarrier.arrive $0xFFFF;
	s2 =	simm.s32 @!p0 $0x1C02  }
0x58: {  	[timem:s3], [sflag:s2] =	dma.local @!p0 [hbm:s0], s1  }
0x59: {  	s0 =	simm.s32 @!p0 $0x2  }
0x5a: {  	_ =	swait.ge @!p0 [sflag:s0], s1  }
0x5b: {  	s1 =	ssub.s32 @!p0 $0x0, s1;
	[sflag:s0] =	ssyncset.done @!p0 $0x0  }
0x5c: {  	[sflag:s0] =	ssyncadd.s32 @!p0 s1  }
0x5d: {  	[bflag:$0x3] =	sbarrier.arrive $0xFFFF  }
0x5e: {  	_ =	shalt  }

// kernel: kernel.19.cloned.1.call-start
scs
__scs_entry_jumppad:
0x0: {  	(pc) =	sbr.rel $0x88, $3  }
0x1: {  	(tag) =	ssettag $0x0;
	lr =	simm.s32 $0x1  }
0x2: {  	[smem:$0x3F94] =	sst lr;
	_ =	strace $0xD0000000  }
0x3: {  	_ = 	snop  }
0x4: {  	_ = 	snop  }
0x5: {  	_ = 	snop  }
0x6: {  	_ = 	snop  }
0x7: {  	_ = 	snop  }
__scs_overlays_trampoline_lowered:
0x8: {  	[smem:$0x3FA3] =	sst s0  }
0x9: {  	[smem:$0x3FA4] =	sst s1  }
0xa: {  	[smem:$0x3FA5] =	sst s2  }
0xb: {  	[smem:$0x3FA6] =	sst s3  }
0xc: {  	[smem:$0x3FA7] =	sst s4  }
0xd: {  	[smem:$0x3FA8] =	sst s5  }
0xe: {  	[smem:$0x3FA9] =	sst s6  }
0xf: {  	[smem:$0x3FAA] =	sst s7  }
0x10: {  	[smem:$0x3FAB] =	sst s8  }
0x11: {  	[smem:$0x3FAC] =	sst s9;
	s0 =	simm.s32 @!p0 $0x0  }
0x12: {  	s1 =	sld [smem:$0x3F92];
	s0 =	simm.s32 @p0 $0x1  }
0x13: {  	[smem:$0x3FAD] =	sst s0;
	s0 =	simm.s32 @!p1 $0x0  }
0x14: {  	s2 =	sld [smem:$0x3F91];
	s0 =	simm.s32 @p1 $0x1  }
0x15: {  	[smem:$0x3FAE] =	sst s0;
	s0 =	simm.s32 @!p2 $0x0  }
0x16: {  	s3 =	sld [smem:$0x3FDB];
	s0 =	simm.s32 @p2 $0x1  }
0x17: {  	s4 =	simm.s32 $0x1BF5;
	[smem:$0x3FB0] =	sst s0  }
0x18: {  	s0 =	sld [smem:$0x3F93];
	_ =	swait.ge [sflag:s4], $0x0  }
0x19: {  	s7 =	sld [smem:$0x3F94]  }
0x1a: {  	s8 =	sadd.s32 $0xFFFFE003, lr  }
0x1b: {  	s9 =	sadd.s32 $0xFFFFFEF7, lr;
	s5 =	simm.s32 $0xFFFFFFFF;
	p2 =	slt.u32 s8, $0xFFFFF086  }
0x1c: {  	p1 =	slt.u32 s9, $0xF7A;
	s5 =	simm.s32 @!p2 $0x0  }
0x1d: {  	s5 =	simm.s32 @p1 $0x1;
	p0 =	seq.s32 s7, s2  }
0x1e: {  	s7 =	smul.u32 @!p0 $0xF7A, s2;
	p2 =	seq.s32 @!p0 s5, $0x0  }
0x1f: {  	s9 =	smul.u32 $0xF7A, s1;
	s8 =	simm.s32 @!p0 $0x1BF5;
	p2 =	por !p2, p0  }
0x20: {  	[sflag:s8] =	ssyncset.s32 @!p0 $0xFFFFF086;
	s6 =	sadd.s32 @!p0 s3, s7;
	s7 =	simm.s32 @!p0 $0x108  }
0x21: {  	s3 =	sadd.s32 s3, s9;
	s6 =	sadd.s32 @!p0 $0x88, s6;
	s7 =	simm.s32 @p2 $0x1082  }
0x22: {  	[simem:s7], [sflag:s8] =	dma.local @!p0 [hbm:s6], $0xF7A  }
0x23: {  	s9 =	sor.u32 $0xD0000000, s2;
	s6 =	simm.s32 $0x108;
	_ =	swait.ge @!p0 [sflag:s8], $0x0  }
0x24: {  	s3 =	sadd.s32 $0x88, s3;
	s6 =	simm.s32 @!p1 $0x1082;
	[sflag:s4] =	ssyncset.s32 $0xFFFFF086  }
0x25: {  	[simem:s6], [sflag:s4] =	dma.local [hbm:s3], $0xF7A  }
0x26: {  	[smem:$0x3F94] =	sst s1;
	(tag) =	ssettag s2;
	_ =	strace s9  }
0x27: {  	s1 =	sld [smem:$0x3FA4]  }
0x28: {  	s2 =	sld [smem:$0x3FA5]  }
0x29: {  	s4 =	sld [smem:$0x3FA7]  }
0x2a: {  	p0 =	seq.s32 s5, $0x0;
	s5 =	sld [smem:$0x3FA8]  }
0x2b: {  	s6 =	sld [smem:$0x3FA9]  }
0x2c: {  	s7 =	sld [smem:$0x3FAA]  }
0x2d: {  	s3 =	simm.s32 $0x108;
	s8 =	sld [smem:$0x3FAB]  }
0x2e: {  	s3 =	simm.s32 @!p0 $0x1082;
	s9 =	sld [smem:$0x3FAC]  }
0x2f: {  	lr =	sadd.s32 s0, s3;
	s0 =	sld [smem:$0x3FA3]  }
0x30: {  	s3 =	sld [smem:$0x3FA6]  }
0x31: {  	[smem:$0x3FAF] =	sst s10  }
0x32: {  	s10 =	sld [smem:$0x3FAD];
	_ =	sdelay $0x3  }
0x33: {  	p0 =	seq.s32 s10, $0x1;
	s10 =	sld [smem:$0x3FAF];
	_ =	sdelay $0x3  }
0x34: {  	[smem:$0x3FAF] =	sst s10  }
0x35: {  	s10 =	sld [smem:$0x3FAE];
	_ =	sdelay $0x3  }
0x36: {  	p1 =	seq.s32 s10, $0x1;
	s10 =	sld [smem:$0x3FAF];
	_ =	sdelay $0x3  }
0x37: {  	[smem:$0x3FAF] =	sst s10  }
0x38: {  	s10 =	sld [smem:$0x3FB0]  }
0x39: {  	_ = 	snop;
	(pc) =	sbr.ind lr, $3  }
0x3a: {  	_ = 	snop  }
0x3b: {  	_ = 	snop  }
0x3c: {  	p2 =	seq.s32 s10, $0x1;
	s10 =	sld [smem:$0x3FAF]  }
0x3d: {  	_ =	shalt  }
0x3e: {  	_ =	shalt  }
0x3f: {  	_ =	shalt  }
0x40: {  	_ =	shalt  }
0x41: {  	_ =	shalt  }
0x42: {  	_ =	shalt  }
0x43: {  	_ =	shalt  }
0x44: {  	_ =	shalt  }
0x45: {  	_ =	shalt  }
0x46: {  	_ =	shalt  }
0x47: {  	_ =	shalt  }
0x48: {  	_ =	shalt  }
0x49: {  	_ =	shalt  }
0x4a: {  	_ =	shalt  }
0x4b: {  	_ =	shalt  }
0x4c: {  	_ =	shalt  }
0x4d: {  	_ =	shalt  }
0x4e: {  	_ =	shalt  }
0x4f: {  	_ =	shalt  }
0x50: {  	_ =	shalt  }
0x51: {  	_ =	shalt  }
0x52: {  	_ =	shalt  }
0x53: {  	_ =	shalt  }
0x54: {  	_ =	shalt  }
0x55: {  	_ =	shalt  }
0x56: {  	_ =	shalt  }
0x57: {  	_ =	shalt  }
0x58: {  	_ =	shalt  }
0x59: {  	_ =	shalt  }
0x5a: {  	_ =	shalt  }
0x5b: {  	_ =	shalt  }
0x5c: {  	_ =	shalt  }
0x5d: {  	_ =	shalt  }
0x5e: {  	_ =	shalt  }
0x5f: {  	_ =	shalt  }
0x60: {  	_ =	shalt  }
0x61: {  	_ =	shalt  }
0x62: {  	_ =	shalt  }
0x63: {  	_ =	shalt  }
0x64: {  	_ =	shalt  }
0x65: {  	_ =	shalt  }
0x66: {  	_ =	shalt  }
0x67: {  	_ =	shalt  }
0x68: {  	_ =	shalt  }
0x69: {  	_ =	shalt  }
0x6a: {  	_ =	shalt  }
0x6b: {  	_ =	shalt  }
0x6c: {  	_ =	shalt  }
0x6d: {  	_ =	shalt  }
0x6e: {  	_ =	shalt  }
0x6f: {  	_ =	shalt  }
0x70: {  	_ =	shalt  }
0x71: {  	_ =	shalt  }
0x72: {  	_ =	shalt  }
0x73: {  	_ =	shalt  }
0x74: {  	_ =	shalt  }
0x75: {  	_ =	shalt  }
0x76: {  	_ =	shalt  }
0x77: {  	_ =	shalt  }
0x78: {  	_ =	shalt  }
0x79: {  	_ =	shalt  }
0x7a: {  	_ =	shalt  }
0x7b: {  	_ =	shalt  }
0x7c: {  	_ =	shalt  }
0x7d: {  	_ =	shalt  }
0x7e: {  	_ =	shalt  }
0x7f: {  	_ =	shalt  }
0x80: {  	_ =	shalt  }
0x81: {  	_ =	shalt  }
0x82: {  	_ =	shalt  }
0x83: {  	_ =	shalt  }
0x84: {  	_ =	shalt  }
0x85: {  	_ =	shalt  }
0x86: {  	_ =	shalt  }
0x87: {  	_ =	shalt  }
.Lfunc_end0:
.L_simem_size_0:
called_computation.3_lowered:
.L_overlay_start_0:
0x88: {  	s2 =	sld [smem:$0x3FD9]  }
0x89: {  	s3 =	sld [smem:$0x3FFE];
	_ =	sdelay $0x1  }
0x8a: {  	s1 =	srdreg.scid  }
0x8b: {  	s0 =	sand.u32 $0x1, s1  }
0x8c: {  	s16 =	sshll.u32 s0, $0xA;
	s2 =	sadd.s32 s3, s2  }
0x8d: {  	s2 =	sadd.s32 s2, s16  }
0x8e: {  	[smem:$0x3FBB] =	sst s2  }
0x8f: {  	_ = 	snop  }
0x90: {  	(tm) =	ssettm $0x1  }
0x91: {  	s17 =	sld [smem:$0x3FFB];
	_ =	sdelay $0x3  }
0x92: {  	_ =	strace s17  }
0x93: {  	s2 =	sld [smem:$0x3FFC];
	_ =	sdelay $0x3  }
0x94: {  	_ =	strace s2  }
0x95: {  	s2 =	sld [smem:$0x3FFD];
	_ =	sdelay $0x3  }
0x96: {  	_ =	strace s2  }
0x97: {  	_ =	strace $0x8FFFFFFF  }
0x98: {  	s18 =	sld [smem:$0x3FDB];
	_ =	sdelay $0x1  }
0x99: {  	s19 =	simm.s32 $_scs_section_size  }
0x9a: {  	s4 =	simm.s32 $_size__tile_overlayer_lowered;
	s5 =	simm.s32 $_tile_overlayer_lowered  }
0x9b: {  	s22 =	simm.s32 $0x1BFF;
	s21 =	sshll.u32 s5, $0x1;
	s2 =	sadd.s32 s19, s18  }
0x9c: {  	s6 =	simm.s32 $0x0;
	s20 =	sshll.u32 s4, $0x1;
	s4 =	sadd.s32 s21, s2  }
0x9d: {  	[timem:s6], [sflag:s22] =	dma.local [hbm:s4], s20  }
0x9e: {  	_ =	swait.ge [sflag:s22], s20  }
0x9f: {  	s3 =	ssub.s32 $0x0, s20;
	[sflag:s22] =	ssyncset.done $0x0  }
0xa0: {  	[sflag:s22] =	ssyncadd.s32 s3;
	_ =	sdelay $0x1  }
0xa1: {  	s23 =	simm.s32 $0x1B8B  }
0xa2: {  	_ =	swait.ge [sflag:s23], $0x1  }
0xa3: {  	[sflag:s23] =	ssyncset.done $0x0  }
0xa4: {  	s25 =	simm.s32 $0x1B8E;
	s24 =	sld [smem:$0x3FFE];
	[sflag:s23] =	ssyncadd.s32 $0xFFFFFFFF  }
0xa5: {  	s26 =	simm.s32 $execute0_lowered;
	[smem:$0x3FD2] =	sst s25  }
0xa6: {  	s4 =	sshll.u32 s26, $0x1;
	_ =	strace $0x8000004F;
	[dreg:$0x1] =	wrdreg $0xFFFFFFFF  }
0xa7: {  	s28 =	simm.s32 $_size_execute0_lowered;
	s2 =	sadd.s32 s2, s4;
	[dreg:$0x0] =	wrdreg $0x0  }
0xa8: {  	s4 =	sshll.u32 s28, $0x1;
	[dreg:$0x2] =	wrdreg s2  }
0xa9: {  	[dreg:$0x3] =	wrdreg s4  }
0xaa: {  	[dreg:$0x4] =	wrdreg $0xC0  }
0xab: {  	_ =	task [dreg:s6], $0x5FFFF  }
0xac: {  	[dreg:$0x1] =	wrdreg $0xFFFFFFFF  }
0xad: {  	[dreg:$0x0] =	wrdreg $0x60  }
0xae: {  	[dreg:$0x2] =	wrdreg s24  }
0xaf: {  	[dreg:$0x3] =	wrdreg $0x70000  }
0xb0: {  	[dreg:$0x4] =	wrdreg $0x9  }
0xb1: {  	_ =	task.clear_ibuf [dreg:s6], $0x5FFFF;
	_ =	strace $0x9000004F  }
0xb2: {  	s29 =	simm.s32 $0x9;
	_ =	strace $0x80000051  }
0xb3: {  	_ =	swait.ge [sflag:s29], $0x1  }
0xb4: {  	[sflag:s29] =	ssyncadd.s32 $0xFFFFFFFF  }
0xb5: {  	_ =	strace $0x90000051  }
0xb6: {  	_ =	sfence  }
0xb7: {  	s30 =	sld [smem:$0x0];
	_ =	sdelay $0x2  }
0xb8: {  	s31 =	sshll.u32 s1, $0xD;
	s1 =	sshrl.u32 s1, $0x2  }
0xb9: {  	s3 =	sand.u32 $0x4000, s31;
	s1 =	sadd.s32 s1, s30  }
0xba: {  	s0 =	sor.u32 s3, s0;
	s1 =	sshll.u32 s1, $0x11  }
0xbb: {  	s0 =	sor.u32 s1, s0  }
0xbc: {  	s0 =	sadd.s32 $0x8F2B, s0  }
0xbd: {  	[sflag:s0] =	ssyncadd.remote.s32 $0x1  }
0xbe: {  	_ =	sfence.sel $0xFFFF  }
0xbf: {  	[dreg:$0x0] =	wrdreg $0xFFFFFFFF;
	(pc) =	sbr.abs _section_cstart, $3  }
0xc0: {  	[dreg:$0x1] =	wrdreg $0xFFFFFFFF  }
0xc1: {  	_ =	task.clear_ibuf [dreg:s6], $0x2FFFF;
	_ =	strace $0x9FFFFFFF  }
0xc2: {  	(tm) =	ssettm $0x7FFFFFFF  }
0xc3: {  	_ =	shalt  }
tec
execute0_lowered:
.L_overlay_start_1:
0x0: {  	(tag) =	ssettag $0x1  }
0x1: {  	s0 =	srdreg.scid;
	s6 =	rddreg [dreg:$0x0]  }
0x2: {  	s2 =	rddreg [dreg:$0x1];
	s3 =	simm.s32 $0x0;
	s15 =	simm.s32 $0x2  }
0x3: {  	s16 =	simm.s32 $0x2800;
	s17 =	simm.s32 $0x5000;
	s18 =	simm.s32 $0x80  }
0x4: {  	s19 =	simm.s32 $0x1;
	s5 =	sand.u32 $0x1, s0;
	s0 =	stileid.u32  }
0x5: {  	s22 =	simm.s32 $0x0;
	[smem:$0x7FF] =	sst s3;
	s8 =	smul.u32 $0xA000, s0  }
0x6: {  	s4 =	sadd.s32 $0x20A00, s6;
	s1 =	sshll.u32 s5, $0x4;
	s9 =	smul.u32 $0xA0000, s5  }
0x7: {  	s10 =	ssub.s32 $0x2, s5;
	s11 =	smul.u32 $0x28000, s0;
	s5 =	sadd.s32 $0xC800, s6  }
0x8: {  	s20 =	sshll.u32 s0, $0x6;
	s1 =	sor.u32 s0, s1;
	s30 =	sshrl.u32 s10, $0x1  }
0x9: {  	s20 =	sor.u32 $0x1C02, s20;
	s7 =	smul.u32 $0x500, s1;
	s1 =	rddreg [dreg:$0x2]  }
0xa: {  	_ =	strace $0x80000050;
	s9 =	sadd.s32 s8, s9;
	s14 =	ssub.s32 s10, s30  }
0xb: {  	s31 =	sshrl.u32 s11, $0x2;
	s8 =	sadd.s32 s8, s2;
	s9 =	sshrl.u32 s9, $0x3  }
0xc: {  	s12 =	sadd.s32 s31, s2;
	s14 =	smax.u32 s14, $0x1;
	s21 =	sshrl.u32 s8, $0x3  }
0xd: {  	s7 =	sadd.s32 s7, s6;
	s13 =	sadd.s32 s9, s6;
	s9 =	sadd.s32 $0x2000, s12  }
0xe: {  	s10 =	sadd.s32 $0x4000, s12;
	s11 =	sadd.s32 $0x6000, s12;
	s12 =	sadd.s32 $0x8000, s12  }
0xf: {  	s6 =	sadd.s32 $0x16A00, s7;
	s7 =	sadd.s32 $0x2800, s7;
	s13 =	sadd.s32 $0x34400, s13  }
.LBB2_1:
0x10: {  	[tilespmem:s3], [sflag:$0x2] =	stream.linear.gather [hbm4b:s6+s3], $0x2800, $0x38;
	[tilespmem:$0x11000] =	vst v63  }
0x11: {  	_ =	swait.ge [sflag:s15], $0x2800  }
0x12: {  	[sflag:s15] =	ssyncset.done $0x0  }
0x13: {  	[sflag:s15] =	ssyncadd.s32 $0xFFFFD800  }
0x14: {  	[tilespmem:s16], [sflag:$0x2] =	stream.linear.gather [hbm4b:s7+s3], $0x2800, $0x38;
	[tilespmem:$0x11000] =	vst v63  }
0x15: {  	_ =	swait.ge [sflag:s15], $0x2800  }
0x16: {  	[sflag:s15] =	ssyncset.done $0x0  }
0x17: {  	[sflag:s15] =	ssyncadd.s32 $0xFFFFD800  }
0x18: {  	[tilespmem:s17], [sflag:$0x2] =	stream.linear.gather [hbm4b:s5+s3], $0x2000, $0x38;
	[tilespmem:$0x11000] =	vst v63  }
0x19: {  	_ =	swait.ge [sflag:s15], $0x2000  }
0x1a: {  	[sflag:s15] =	ssyncset.done $0x0  }
0x1b: {  	[sflag:s15] =	ssyncadd.s32 $0xFFFFE000  }
0x1c: {  	[spmem:s8] =	stream.linear.scatter [tilespmem:s17], [sflag:$0x2], $0x2000, $0x38;
	[tilespmem:$0x11000] =	vst v63  }
0x1d: {  	_ =	swait.ge [sflag:s15], $0x2000  }
0x1e: {  	[sflag:s15] =	ssyncset.done $0x0  }
0x1f: {  	[sflag:s15] =	ssyncadd.s32 $0xFFFFE000  }
0x20: {  	[spmem:s9] =	stream.linear.scatter [tilespmem:s17], [sflag:$0x2], $0x2000, $0x38;
	[tilespmem:$0x11000] =	vst v63  }
0x21: {  	_ =	swait.ge [sflag:s15], $0x2000  }
0x22: {  	[sflag:s15] =	ssyncset.done $0x0  }
0x23: {  	[sflag:s15] =	ssyncadd.s32 $0xFFFFE000  }
0x24: {  	[spmem:s10] =	stream.linear.scatter [tilespmem:s17], [sflag:$0x2], $0x2000, $0x38;
	[tilespmem:$0x11000] =	vst v63  }
0x25: {  	_ =	swait.ge [sflag:s15], $0x2000  }
0x26: {  	[sflag:s15] =	ssyncset.done $0x0  }
0x27: {  	[sflag:s15] =	ssyncadd.s32 $0xFFFFE000  }
0x28: {  	[spmem:s11] =	stream.linear.scatter [tilespmem:s17], [sflag:$0x2], $0x2000, $0x38;
	[tilespmem:$0x11000] =	vst v63  }
0x29: {  	_ =	swait.ge [sflag:s15], $0x2000  }
0x2a: {  	[sflag:s15] =	ssyncset.done $0x0  }
0x2b: {  	[sflag:s15] =	ssyncadd.s32 $0xFFFFE000  }
0x2c: {  	[spmem:s12] =	stream.linear.scatter [tilespmem:s17], [sflag:$0x2], $0x2000, $0x38;
	[tilespmem:$0x11000] =	vst v63  }
0x2d: {  	_ =	swait.ge [sflag:s15], $0x2000  }
0x2e: {  	[sflag:s15] =	ssyncset.done $0x0  }
0x2f: {  	[sflag:s15] =	ssyncadd.s32 $0xFFFFE000  }
0x30: {  	s23 =	simm.s32 $0x0;
	[bflag:$0x0] =	sbarrier.arrive $0xFFFF  }
0x31: {  	[tilespmem:s17], [sflag:$0x1] =	stream.indirect.gather [hbm4b:s4+s18], $0x40, s23, s18, $0xb8;
	[tilespmem:$0x11000] =	vst v63  }
0x32: {  	_ =	swait.ge [sflag:s19], $0x2000  }
0x33: {  	[sflag:s19] =	ssyncset.done $0x0  }
0x34: {  	s31 =	simm.s32 $0x2800;
	[sflag:s19] =	ssyncadd.s32 $0xFFFFE000  }
0x35: {  	[spmem:s2] =	stream.indirect.scatter.add.f32 [tilespmem:s17], [sflag:$0x2], $0x40, s31, s18, $0xb8;
	[tilespmem:$0x11000] =	vst v63  }
0x36: {  	_ =	swait.ge [sflag:s15], $0x2000  }
0x37: {  	s24 =	simm.s32 $0x400;
	s23 =	simm.s32 $0x200;
	[sflag:s15] =	ssyncset.done $0x0  }
.LBB2_2:
0x38: {  	s25 =	sshra.s32 s23, $0x2  }
0x39: {  	[sflag:s15] =	ssyncadd.s32 $0xFFFFE000;
	s23 =	smov.u32 s24;
	s26 =	sadd.s32 $0x200, s24  }
0x3a: {  	[tilespmem:s17], [sflag:$0x1] =	stream.indirect.gather [hbm4b:s4+s18], $0x40, s25, s18, $0xb8;
	[tilespmem:$0x11000] =	vst v63  }
0x3b: {  	p0 =	sne.s32 s24, $0x9E00;
	_ =	swait.ge [sflag:s19], $0x2000  }
.Ltmp0:
0x3c: {  	[sflag:s19] =	ssyncset.done $0x0;
	(pc) =	sbr.rel @p0 .LBB2_2-.Ltmp0, $4  }
0x3d: {  	s24 =	sadd.s32 $0x2800, s25;
	[sflag:s19] =	ssyncadd.s32 $0xFFFFE000  }
0x3e: {  	[spmem:s2] =	stream.indirect.scatter.add.f32 [tilespmem:s17], [sflag:$0x2], $0x40, s24, s18, $0xb8;
	[tilespmem:$0x11000] =	vst v63  }
0x3f: {  	_ =	swait.ge [sflag:s15], $0x2000  }
0x40: {  	s24 =	smov.u32 s26;
	[sflag:s15] =	ssyncset.done $0x0  }
0x41: {  	s23 =	sshra.s32 s23, $0x2;
	[sflag:s15] =	ssyncadd.s32 $0xFFFFE000  }
0x42: {  	[tilespmem:s17], [sflag:$0x1] =	stream.indirect.gather [hbm4b:s4+s18], $0x40, s23, s18, $0xb8;
	[tilespmem:$0x11000] =	vst v63  }
0x43: {  	_ =	swait.ge [sflag:s19], $0x2000  }
0x44: {  	[sflag:s19] =	ssyncset.done $0x0  }
0x45: {  	s23 =	sadd.s32 $0x2800, s23;
	[sflag:s19] =	ssyncadd.s32 $0xFFFFE000  }
0x46: {  	[spmem:s2] =	stream.indirect.scatter.add.f32 [tilespmem:s17], [sflag:$0x2], $0x40, s23, s18, $0xb8;
	[tilespmem:$0x11000] =	vst v63  }
0x47: {  	_ =	swait.ge [sflag:s15], $0x2000  }
0x48: {  	s22 =	sadd.s32 $0x1, s22;
	[sflag:s15] =	ssyncset.done $0x0  }
0x49: {  	p0 =	sne.s32 s22, s14;
	[sflag:s15] =	ssyncadd.s32 $0xFFFFE000  }
.Ltmp1:
0x4a: {  	[bflag:$0x0] =	sbarrier.arrive $0xFFFF;
	(pc) =	sbr.rel @p0 .LBB2_1-.Ltmp1, $4  }
0x4b: {  	[hbm:s13], [sflag:s20] =	dma.local [spmem:s21], $0x1400  }
0x4c: {  	_ =	swait.ge [sflag:s15], $0x1400  }
0x4d: {  	[sflag:s15] =	ssyncset.done $0x0  }
0x4e: {  	[sflag:s15] =	ssyncadd.s32 $0xFFFFEC00  }
0x4f: {  	_ =	sfence.sel $0x180000  }
0x50: {  	[bflag:$0x0] =	sbarrier.arrive $0xFFFF  }
0x51: {  	p0 =	sne.s32 s0, $0x0;
	_ =	strace $0x90000050  }
0x52: {  	s0 =	sadd.s32 @!p0 $0x100000, s1;
	[bflag:$0x2] =	sbarrier.arrive $0xFFFF  }
0x53: {  	[sflag:s0] =	ssyncadd.tile.s32 @!p0 $0x1;
	_ =	shalt  }
.Lfunc_end2:
_tile_overlayer_lowered:
.L_overlay_start_2:
0x54: {  	(tag) =	ssettag $0x2  }
0x55: {  	s0 =	rddreg [dreg:$0x0];
	s2 =	stileid.u32  }
0x56: {  	s1 =	rddreg [dreg:$0x1];
	p0 =	sne.s32 s2, $0x0  }
0x57: {  	s3 =	rddreg [dreg:$0x2];
	[bflag:$0x3] =	sbarrier.arrive $0xFFFF;
	s2 =	simm.s32 @!p0 $0x1C02  }
0x58: {  	[timem:s3], [sflag:s2] =	dma.local @!p0 [hbm:s0], s1  }
0x59: {  	s0 =	simm.s32 @!p0 $0x2  }
0x5a: {  	_ =	swait.ge @!p0 [sflag:s0], s1  }
0x5b: {  	s1 =	ssub.s32 @!p0 $0x0, s1;
	[sflag:s0] =	ssyncset.done @!p0 $0x0  }
0x5c: {  	[sflag:s0] =	ssyncadd.s32 @!p0 s1  }
0x5d: {  	[bflag:$0x3] =	sbarrier.arrive $0xFFFF  }
0x5e: {  	_ =	shalt  }

</sc_bundles>
